<compile_context>
chip_gen: v7x
topology: tpu7x:2x2x1
jax: 0.10.2.dev20260603
libtpu: 0.0.44.dev20260713+nightly
codegen_flags: <defaults>
</compile_context>

<pallas_src>
import functools

import jax
import jax.numpy as jnp
from jax import lax
from jax.experimental import pallas as pl
from jax.experimental.pallas import tpu as pltpu
from jax.experimental.pallas import tpu_sc as plsc

_NC = 2
_NS = 16
_NW = _NC * _NS

_CHUNK = 2048
_UNROLL = 8


@functools.lru_cache(maxsize=None)
def _make_gather_t(nrows: int, v: int, b: int, d: int):
    assert nrows % _NW == 0
    per_w = nrows // _NW
    nchunks = b // _CHUNK
    inner = _CHUNK // (16 * _UNROLL)
    dshift = d.bit_length() - 1
    assert 1 << dshift == d
    ntiles = v // 128
    halfa = (ntiles // 2) * 128
    bmain = ntiles * 128 - halfa
    tail = v - ntiles * 128

    mesh = plsc.VectorSubcoreMesh(core_axis_name="c", subcore_axis_name="s")

    @functools.partial(
        pl.kernel,
        mesh=mesh,
        out_type=jax.ShapeDtypeStruct((nrows, b), jnp.float32),
        scratch_types=[
            pltpu.VMEM((v,), jnp.float32),
            pltpu.VMEM((_CHUNK,), jnp.int32),
            pltpu.VMEM((_CHUNK,), jnp.int32),
            pltpu.VMEM((_CHUNK,), jnp.float32),
            pltpu.VMEM((_CHUNK,), jnp.float32),
            pltpu.SemaphoreType.DMA,
            pltpu.SemaphoreType.DMA,
            pltpu.SemaphoreType.DMA,
            pltpu.SemaphoreType.DMA,
            pltpu.SemaphoreType.DMA,
            pltpu.SemaphoreType.DMA,
        ],
        compiler_params=pltpu.CompilerParams(
            use_tc_tiling_on_sc=True, needs_layout_passes=False
        ),
    )
    def gather_kernel(
        tbl_hbm, idx_hbm, tails_hbm, out_hbm,
        plane_v, idx_a, idx_b, out_a, out_b, si_a, si_b, so_a, so_b,
        sp_a, sp_b,
    ):
        wid = lax.axis_index("s") * _NC + lax.axis_index("c")
        idx_bufs = (idx_a, idx_b)
        out_bufs = (out_a, out_b)
        si = (si_a, si_b)
        so = (so_a, so_b)

        def row_body(i, c0):
            r = wid * per_w + i
            f = lax.shift_right_logical(r, dshift)
            ibase = f * b
            pltpu.async_copy(
                idx_hbm.at[pl.ds(ibase, _CHUNK)], idx_a, si_a
            )
            pltpu.async_copy(
                idx_hbm.at[pl.ds(ibase + _CHUNK, _CHUNK)], idx_b, si_b
            )
            pltpu.async_copy(
                tbl_hbm.at[r, :].at[pl.ds(0, halfa)],
                plane_v.at[pl.ds(0, halfa)],
                sp_a,
            )
            pltpu.async_copy(
                tbl_hbm.at[r, :].at[pl.ds(halfa, bmain)],
                plane_v.at[pl.ds(halfa, bmain)],
                sp_b,
            )
            if tail:
                pltpu.async_copy(
                    tails_hbm.at[pl.ds(r * tail, tail)],
                    plane_v.at[pl.ds(halfa + bmain, tail)],
                    sp_a,
                )
            pltpu.make_async_copy(
                tbl_hbm.at[r, :].at[pl.ds(0, halfa)],
                plane_v.at[pl.ds(0, halfa)],
                sp_a,
            ).wait()
            pltpu.make_async_copy(
                tbl_hbm.at[r, :].at[pl.ds(halfa, bmain)],
                plane_v.at[pl.ds(halfa, bmain)],
                sp_b,
            ).wait()
            if tail:
                pltpu.make_async_copy(
                    tails_hbm.at[pl.ds(r * tail, tail)],
                    plane_v.at[pl.ds(halfa + bmain, tail)],
                    sp_a,
                ).wait()

            for c in range(nchunks):
                u = c % 2
                if c >= 2:
                    pltpu.make_async_copy(
                        out_bufs[u],
                        out_hbm.at[r, pl.ds((c - 2) * _CHUNK, _CHUNK)],
                        so[u],
                    ).wait()
                pltpu.make_async_copy(
                    idx_hbm.at[pl.ds(ibase + c * _CHUNK, _CHUNK)],
                    idx_bufs[u],
                    si[u],
                ).wait()

                def vec_body(t, c2, _iv=idx_bufs[u], _ov=out_bufs[u]):
                    base = t * (16 * _UNROLL)
                    for uu in range(_UNROLL):
                        ii = _iv[pl.ds(base + uu * 16, 16)]
                        _ov[pl.ds(base + uu * 16, 16)] = plsc.load_gather(
                            plane_v, [ii]
                        )
                    return c2

                lax.fori_loop(0, inner, vec_body, 0)
                pltpu.async_copy(
                    out_bufs[u], out_hbm.at[r, pl.ds(c * _CHUNK, _CHUNK)], so[u]
                )
                if c + 2 < nchunks:
                    pltpu.async_copy(
                        idx_hbm.at[pl.ds(ibase + (c + 2) * _CHUNK, _CHUNK)],
                        idx_bufs[u],
                        si[u],
                    )

            for c in (nchunks - 2, nchunks - 1):
                u = c % 2
                pltpu.make_async_copy(
                    out_bufs[u], out_hbm.at[r, pl.ds(c * _CHUNK, _CHUNK)], so[u]
                ).wait()
            return c0

        lax.fori_loop(0, per_w, row_body, 0)

    return gather_kernel


def _mlp_t_body(xt_ref, we_ref, be_ref, wd_ref, bd_ref, o_ref):
    xt = xt_ref[...]
    z = lax.dot_general(
        we_ref[...], xt, (((0,), (0,)), ((), ())),
        preferred_element_type=jnp.float32,
    )
    z = jnp.maximum(z + be_ref[...], 0.0)
    y = lax.dot_general(
        wd_ref[...], z, (((0,), (0,)), ((), ())),
        preferred_element_type=jnp.float32,
    )
    y = y + bd_ref[...]
    o_ref[...] = 1.0 / (1.0 + jnp.exp(-y))


@functools.lru_cache(maxsize=None)
def _make_mlp_t(b: int, out_dim: int, latent: int, bn: int):
    grid = (b // bn,)
    return pl.pallas_call(
        _mlp_t_body,
        grid=grid,
        in_specs=[
            pl.BlockSpec((out_dim, bn), lambda i: (0, i)),
            pl.BlockSpec((out_dim, latent), lambda i: (0, 0)),
            pl.BlockSpec((latent, 1), lambda i: (0, 0)),
            pl.BlockSpec((latent, out_dim), lambda i: (0, 0)),
            pl.BlockSpec((out_dim, 1), lambda i: (0, 0)),
        ],
        out_specs=pl.BlockSpec((out_dim, bn), lambda i: (0, i)),
        out_shape=jax.ShapeDtypeStruct((out_dim, b), jnp.float32),
    )


def kernel(indices, tables, W_enc, b_enc, W_dec, b_dec):
    b, f = indices.shape
    _, v, d = tables.shape
    out_dim, latent = W_enc.shape

    planes = tables.transpose(0, 2, 1).reshape(f * d, v)
    idx_flat = indices.astype(jnp.int32).T.reshape(-1)

    tails = lax.slice(planes, (0, (v // 128) * 128), (f * d, v)).reshape(-1)
    xt = _make_gather_t(f * d, v, b, d)(planes, idx_flat, tails)

    mlp = _make_mlp_t(b, out_dim, latent, 2048)
    out_t = mlp(
        xt, W_enc, b_enc.reshape(latent, 1), W_dec, b_dec.reshape(out_dim, 1)
    )
    return out_t.T

# --- scband reference (transcript-rebuilt; emitter-appended) ---
"""Pipeline reference for scband-auto-encoder-27582279975146 (READ-ONLY COPY).

The authoritative reference and input builder live on the scoring server;
editing this copy changes nothing except your own understanding.
"""

import jax, jax.numpy as jnp
import numpy as np

B = 16384
F = 26
V = 100000
D = 16
L = 128
OUT = F * D


def setup_inputs(seed: int = 0) -> dict:
    key = jax.random.key(seed)
    k1, k2, k3, k4 = jax.random.split(key, 4)
    indices = jax.random.randint(k1, (B, F), 0, V)
    tables = jax.random.normal(k2, (F, V, D), dtype=jnp.float32) * 0.01
    W_enc = jax.random.normal(k3, (OUT, L), dtype=jnp.float32) * (1.0 / np.sqrt(OUT))
    b_enc = jnp.zeros((L,), dtype=jnp.float32)
    W_dec = jax.random.normal(k4, (L, OUT), dtype=jnp.float32) * (1.0 / np.sqrt(L))
    b_dec = jnp.zeros((OUT,), dtype=jnp.float32)
    return {"indices": indices, "tables": tables, "W_enc": W_enc, "b_enc": b_enc, "W_dec": W_dec, "b_dec": b_dec}


def reference(indices, tables, W_enc, b_enc, W_dec, b_dec):
    # DenseFeatures with per-field embedding columns: gather each field's row
    # from its own table and concatenate along the feature axis.
    field_ids = jnp.arange(tables.shape[0])[None, :]  # [1, F]
    emb = tables[field_ids, indices]                  # [B, F, D] gather
    x = emb.reshape(indices.shape[0], -1)             # [B, F*D]
    # encoder: Dense(latent_dim, relu)
    z = jax.nn.relu(x @ W_enc + b_enc)
    # decoder: Dense(out_dim) followed by sigmoid
    out = jax.nn.sigmoid(z @ W_dec + b_dec)
    return out

if __name__ == "__main__":
    import jax
    _d = setup_inputs()
    print(jax.jit(kernel)(*tuple(_d.values())))

</pallas_src>

<mosaic_0001>
#map = affine_map<(d0, d1) -> (0, 0)>
#map1 = affine_map<(d0, d1) -> (0)>
module attributes {stable_mosaic.version = 14 : i64} {
  func.func @gather_kernel(%arg0: i32, %arg1: i32, %arg2: memref<416x100000xf32, #tpu.memory_space<hbm>>, %arg3: memref<425984xi32, #tpu.memory_space<hbm>>, %arg4: memref<13312xf32, #tpu.memory_space<hbm>>, %arg5: memref<416x16384xf32, #tpu.memory_space<hbm>>, %arg6: memref<100000xf32, #tpu.memory_space<vmem>>, %arg7: memref<2048xi32, #tpu.memory_space<vmem>>, %arg8: memref<2048xi32, #tpu.memory_space<vmem>>, %arg9: memref<2048xf32, #tpu.memory_space<vmem>>, %arg10: memref<2048xf32, #tpu.memory_space<vmem>>, %arg11: memref<!tpu.dma_semaphore, #tpu.memory_space<semaphore_mem>>, %arg12: memref<!tpu.dma_semaphore, #tpu.memory_space<semaphore_mem>>, %arg13: memref<!tpu.dma_semaphore, #tpu.memory_space<semaphore_mem>>, %arg14: memref<!tpu.dma_semaphore, #tpu.memory_space<semaphore_mem>>, %arg15: memref<!tpu.dma_semaphore, #tpu.memory_space<semaphore_mem>>, %arg16: memref<!tpu.dma_semaphore, #tpu.memory_space<semaphore_mem>>) attributes {dimension_semantics = [#tpu.dimension_semantics<core_parallel>, #tpu.dimension_semantics<subcore_parallel>], iteration_bounds = array<i64: 2, 16>, scalar_prefetch = 0 : i64, scratch_operands = 11 : i64, tpu.core_type = #tpu.core_type<sc_vector_subcore>, window_params = [{transform_indices = #map}, {transform_indices = #map1}, {transform_indices = #map1}, {transform_indices = #map}]} {
    %mul3A = arith.constant 2 : i32
    %mul3A_0 = arith.muli %arg1, %mul3A : i32
    %add3A = arith.addi %mul3A_0, %arg0 : i32
    %scan3A = arith.constant 0 : i32
    %scan3A_1 = arith.constant 0 : i32
    %scan3A_2 = arith.constant 13 : i32
    %scan3A_3 = arith.addi %scan3A_1, %scan3A_2 : i32
    %scan3A_4 = arith.constant 1 : i32
    scf.for %scan3A_6 = %scan3A_1 to %scan3A_3 step %scan3A_4  : i32 {
      %mul3A_7 = arith.constant 13 : i32
      %mul3A_8 = arith.muli %add3A, %mul3A_7 : i32
      %add3A_9 = arith.addi %mul3A_8, %scan3A_6 : i32
      %shift_right_logical3A = arith.constant 4 : i32
      %shift_right_logical3A_10 = arith.shrui %add3A_9, %shift_right_logical3A : i32
      %mul3A_11 = arith.constant 16384 : i32
      %mul3A_12 = arith.muli %shift_right_logical3A_10, %mul3A_11 : i32
      %dma_start3A = tpu.memref_slice %arg3[%mul3A_12] : memref<425984xi32, #tpu.memory_space<hbm>> -> memref<2048xi32, #tpu.memory_space<hbm>>
      %dma_start3A_13 = tpu.memref_slice %arg3[%mul3A_12] : memref<425984xi32, #tpu.memory_space<hbm>> -> memref<2048xi32, #tpu.memory_space<hbm>>
      tpu.enqueue_dma source(%dma_start3A_13 : memref<2048xi32, #tpu.memory_space<hbm>>) target(%arg7 : memref<2048xi32, #tpu.memory_space<vmem>>) target_semaphore(%arg11 : memref<!tpu.dma_semaphore, #tpu.memory_space<semaphore_mem>>)
      %add3A_14 = arith.constant 2048 : i32
      %add3A_15 = arith.addi %mul3A_12, %add3A_14 : i32
      %dma_start3A_16 = tpu.memref_slice %arg3[%add3A_15] : memref<425984xi32, #tpu.memory_space<hbm>> -> memref<2048xi32, #tpu.memory_space<hbm>>
      %dma_start3A_17 = tpu.memref_slice %arg3[%add3A_15] : memref<425984xi32, #tpu.memory_space<hbm>> -> memref<2048xi32, #tpu.memory_space<hbm>>
      tpu.enqueue_dma source(%dma_start3A_17 : memref<2048xi32, #tpu.memory_space<hbm>>) target(%arg8 : memref<2048xi32, #tpu.memory_space<vmem>>) target_semaphore(%arg12 : memref<!tpu.dma_semaphore, #tpu.memory_space<semaphore_mem>>)
      %dma_start3A_18 = arith.constant 0 : i32
      %dma_start3A_19 = tpu.memref_slice %arg6[%dma_start3A_18] : memref<100000xf32, #tpu.memory_space<vmem>> -> memref<49920xf32, #tpu.memory_space<vmem>>
      %dma_start3A_20 = arith.constant 0 : i32
      %dma_start3A_21 = tpu.memref_slice %arg2[%add3A_9, %dma_start3A_20] : memref<416x100000xf32, #tpu.memory_space<hbm>> -> memref<1x100000xf32, #tpu.memory_space<hbm>>
      %dma_start3A_22 = tpu.memref_squeeze %dma_start3A_21 : memref<1x100000xf32, #tpu.memory_space<hbm>> -> memref<100000xf32, #tpu.memory_space<hbm>>
      %dma_start3A_23 = arith.constant 0 : i32
      %dma_start3A_24 = tpu.memref_slice %dma_start3A_22[%dma_start3A_23] : memref<100000xf32, #tpu.memory_space<hbm>> -> memref<49920xf32, #tpu.memory_space<hbm>>
      %dma_start3A_25 = arith.constant 0 : i32
      %dma_start3A_26 = tpu.memref_slice %arg6[%dma_start3A_25] : memref<100000xf32, #tpu.memory_space<vmem>> -> memref<49920xf32, #tpu.memory_space<vmem>>
      %dma_start3A_27 = arith.constant 0 : i32
      %dma_start3A_28 = tpu.memref_slice %arg2[%add3A_9, %dma_start3A_27] : memref<416x100000xf32, #tpu.memory_space<hbm>> -> memref<1x100000xf32, #tpu.memory_space<hbm>>
      %dma_start3A_29 = tpu.memref_squeeze %dma_start3A_28 : memref<1x100000xf32, #tpu.memory_space<hbm>> -> memref<100000xf32, #tpu.memory_space<hbm>>
      %dma_start3A_30 = arith.constant 0 : i32
      %dma_start3A_31 = tpu.memref_slice %dma_start3A_29[%dma_start3A_30] : memref<100000xf32, #tpu.memory_space<hbm>> -> memref<49920xf32, #tpu.memory_space<hbm>>
      tpu.enqueue_dma source(%dma_start3A_31 : memref<49920xf32, #tpu.memory_space<hbm>>) target(%dma_start3A_26 : memref<49920xf32, #tpu.memory_space<vmem>>) target_semaphore(%arg15 : memref<!tpu.dma_semaphore, #tpu.memory_space<semaphore_mem>>)
      %dma_start3A_32 = arith.constant 49920 : i32
      %dma_start3A_33 = tpu.memref_slice %arg6[%dma_start3A_32] : memref<100000xf32, #tpu.memory_space<vmem>> -> memref<50048xf32, #tpu.memory_space<vmem>>
      %dma_start3A_34 = arith.constant 0 : i32
      %dma_start3A_35 = tpu.memref_slice %arg2[%add3A_9, %dma_start3A_34] : memref<416x100000xf32, #tpu.memory_space<hbm>> -> memref<1x100000xf32, #tpu.memory_space<hbm>>
      %dma_start3A_36 = tpu.memref_squeeze %dma_start3A_35 : memref<1x100000xf32, #tpu.memory_space<hbm>> -> memref<100000xf32, #tpu.memory_space<hbm>>
      %dma_start3A_37 = arith.constant 49920 : i32
      %dma_start3A_38 = tpu.memref_slice %dma_start3A_36[%dma_start3A_37] : memref<100000xf32, #tpu.memory_space<hbm>> -> memref<50048xf32, #tpu.memory_space<hbm>>
      %dma_start3A_39 = arith.constant 49920 : i32
      %dma_start3A_40 = tpu.memref_slice %arg6[%dma_start3A_39] : memref<100000xf32, #tpu.memory_space<vmem>> -> memref<50048xf32, #tpu.memory_space<vmem>>
      %dma_start3A_41 = arith.constant 0 : i32
      %dma_start3A_42 = tpu.memref_slice %arg2[%add3A_9, %dma_start3A_41] : memref<416x100000xf32, #tpu.memory_space<hbm>> -> memref<1x100000xf32, #tpu.memory_space<hbm>>
      %dma_start3A_43 = tpu.memref_squeeze %dma_start3A_42 : memref<1x100000xf32, #tpu.memory_space<hbm>> -> memref<100000xf32, #tpu.memory_space<hbm>>
      %dma_start3A_44 = arith.constant 49920 : i32
      %dma_start3A_45 = tpu.memref_slice %dma_start3A_43[%dma_start3A_44] : memref<100000xf32, #tpu.memory_space<hbm>> -> memref<50048xf32, #tpu.memory_space<hbm>>
      tpu.enqueue_dma source(%dma_start3A_45 : memref<50048xf32, #tpu.memory_space<hbm>>) target(%dma_start3A_40 : memref<50048xf32, #tpu.memory_space<vmem>>) target_semaphore(%arg16 : memref<!tpu.dma_semaphore, #tpu.memory_space<semaphore_mem>>)
      %mul3A_46 = arith.constant 32 : i32
      %mul3A_47 = arith.muli %add3A_9, %mul3A_46 : i32
      %dma_start3A_48 = arith.constant 99968 : i32
      %dma_start3A_49 = tpu.memref_slice %arg6[%dma_start3A_48] : memref<100000xf32, #tpu.memory_space<vmem>> -> memref<32xf32, #tpu.memory_space<vmem>>
      %dma_start3A_50 = tpu.memref_slice %arg4[%mul3A_47] : memref<13312xf32, #tpu.memory_space<hbm>> -> memref<32xf32, #tpu.memory_space<hbm>>
      %dma_start3A_51 = arith.constant 99968 : i32
      %dma_start3A_52 = tpu.memref_slice %arg6[%dma_start3A_51] : memref<100000xf32, #tpu.memory_space<vmem>> -> memref<32xf32, #tpu.memory_space<vmem>>
      %dma_start3A_53 = tpu.memref_slice %arg4[%mul3A_47] : memref<13312xf32, #tpu.memory_space<hbm>> -> memref<32xf32, #tpu.memory_space<hbm>>
      tpu.enqueue_dma source(%dma_start3A_53 : memref<32xf32, #tpu.memory_space<hbm>>) target(%dma_start3A_52 : memref<32xf32, #tpu.memory_space<vmem>>) target_semaphore(%arg15 : memref<!tpu.dma_semaphore, #tpu.memory_space<semaphore_mem>>)
      %dma_wait3A = arith.constant 0 : i32
      %dma_wait3A_54 = tpu.memref_slice %arg6[%dma_wait3A] : memref<100000xf32, #tpu.memory_space<vmem>> -> memref<49920xf32, #tpu.memory_space<vmem>>
      %dma_wait3A_55 = arith.constant 0 : i32
      %dma_wait3A_56 = tpu.memref_slice %arg2[%add3A_9, %dma_wait3A_55] : memref<416x100000xf32, #tpu.memory_space<hbm>> -> memref<1x100000xf32, #tpu.memory_space<hbm>>
      %dma_wait3A_57 = tpu.memref_squeeze %dma_wait3A_56 : memref<1x100000xf32, #tpu.memory_space<hbm>> -> memref<100000xf32, #tpu.memory_space<hbm>>
      %dma_wait3A_58 = arith.constant 0 : i32
      %dma_wait3A_59 = tpu.memref_slice %dma_wait3A_57[%dma_wait3A_58] : memref<100000xf32, #tpu.memory_space<hbm>> -> memref<49920xf32, #tpu.memory_space<hbm>>
      %dma_wait3A_60 = arith.constant 0 : i32
      %dma_wait3A_61 = tpu.memref_slice %arg6[%dma_wait3A_60] : memref<100000xf32, #tpu.memory_space<vmem>> -> memref<49920xf32, #tpu.memory_space<vmem>>
      %dma_wait3A_62 = arith.constant 0 : i32
      %dma_wait3A_63 = tpu.memref_slice %arg2[%add3A_9, %dma_wait3A_62] : memref<416x100000xf32, #tpu.memory_space<hbm>> -> memref<1x100000xf32, #tpu.memory_space<hbm>>
      %dma_wait3A_64 = tpu.memref_squeeze %dma_wait3A_63 : memref<1x100000xf32, #tpu.memory_space<hbm>> -> memref<100000xf32, #tpu.memory_space<hbm>>
      %dma_wait3A_65 = arith.constant 0 : i32
      %dma_wait3A_66 = tpu.memref_slice %dma_wait3A_64[%dma_wait3A_65] : memref<100000xf32, #tpu.memory_space<hbm>> -> memref<49920xf32, #tpu.memory_space<hbm>>
      tpu.wait_dma2 semaphore(%arg15 : memref<!tpu.dma_semaphore, #tpu.memory_space<semaphore_mem>>) src(%dma_wait3A_66 : memref<49920xf32, #tpu.memory_space<hbm>>) dst(%dma_wait3A_61 : memref<49920xf32, #tpu.memory_space<vmem>>)
      %dma_wait3A_67 = arith.constant 49920 : i32
      %dma_wait3A_68 = tpu.memref_slice %arg6[%dma_wait3A_67] : memref<100000xf32, #tpu.memory_space<vmem>> -> memref<50048xf32, #tpu.memory_space<vmem>>
      %dma_wait3A_69 = arith.constant 0 : i32
      %dma_wait3A_70 = tpu.memref_slice %arg2[%add3A_9, %dma_wait3A_69] : memref<416x100000xf32, #tpu.memory_space<hbm>> -> memref<1x100000xf32, #tpu.memory_space<hbm>>
      %dma_wait3A_71 = tpu.memref_squeeze %dma_wait3A_70 : memref<1x100000xf32, #tpu.memory_space<hbm>> -> memref<100000xf32, #tpu.memory_space<hbm>>
      %dma_wait3A_72 = arith.constant 49920 : i32
      %dma_wait3A_73 = tpu.memref_slice %dma_wait3A_71[%dma_wait3A_72] : memref<100000xf32, #tpu.memory_space<hbm>> -> memref<50048xf32, #tpu.memory_space<hbm>>
      %dma_wait3A_74 = arith.constant 49920 : i32
      %dma_wait3A_75 = tpu.memref_slice %arg6[%dma_wait3A_74] : memref<100000xf32, #tpu.memory_space<vmem>> -> memref<50048xf32, #tpu.memory_space<vmem>>
      %dma_wait3A_76 = arith.constant 0 : i32
      %dma_wait3A_77 = tpu.memref_slice %arg2[%add3A_9, %dma_wait3A_76] : memref<416x100000xf32, #tpu.memory_space<hbm>> -> memref<1x100000xf32, #tpu.memory_space<hbm>>
      %dma_wait3A_78 = tpu.memref_squeeze %dma_wait3A_77 : memref<1x100000xf32, #tpu.memory_space<hbm>> -> memref<100000xf32, #tpu.memory_space<hbm>>
      %dma_wait3A_79 = arith.constant 49920 : i32
      %dma_wait3A_80 = tpu.memref_slice %dma_wait3A_78[%dma_wait3A_79] : memref<100000xf32, #tpu.memory_space<hbm>> -> memref<50048xf32, #tpu.memory_space<hbm>>
      tpu.wait_dma2 semaphore(%arg16 : memref<!tpu.dma_semaphore, #tpu.memory_space<semaphore_mem>>) src(%dma_wait3A_80 : memref<50048xf32, #tpu.memory_space<hbm>>) dst(%dma_wait3A_75 : memref<50048xf32, #tpu.memory_space<vmem>>)
      %mul3A_81 = arith.constant 32 : i32
      %mul3A_82 = arith.muli %add3A_9, %mul3A_81 : i32
      %dma_wait3A_83 = arith.constant 99968 : i32
      %dma_wait3A_84 = tpu.memref_slice %arg6[%dma_wait3A_83] : memref<100000xf32, #tpu.memory_space<vmem>> -> memref<32xf32, #tpu.memory_space<vmem>>
      %dma_wait3A_85 = tpu.memref_slice %arg4[%mul3A_82] : memref<13312xf32, #tpu.memory_space<hbm>> -> memref<32xf32, #tpu.memory_space<hbm>>
      %dma_wait3A_86 = arith.constant 99968 : i32
      %dma_wait3A_87 = tpu.memref_slice %arg6[%dma_wait3A_86] : memref<100000xf32, #tpu.memory_space<vmem>> -> memref<32xf32, #tpu.memory_space<vmem>>
      %dma_wait3A_88 = tpu.memref_slice %arg4[%mul3A_82] : memref<13312xf32, #tpu.memory_space<hbm>> -> memref<32xf32, #tpu.memory_space<hbm>>
      tpu.wait_dma2 semaphore(%arg15 : memref<!tpu.dma_semaphore, #tpu.memory_space<semaphore_mem>>) src(%dma_wait3A_88 : memref<32xf32, #tpu.memory_space<hbm>>) dst(%dma_wait3A_87 : memref<32xf32, #tpu.memory_space<vmem>>)
      %add3A_89 = arith.constant 0 : i32
      %add3A_90 = arith.addi %mul3A_12, %add3A_89 : i32
      %dma_wait3A_91 = tpu.memref_slice %arg3[%add3A_90] : memref<425984xi32, #tpu.memory_space<hbm>> -> memref<2048xi32, #tpu.memory_space<hbm>>
      %dma_wait3A_92 = tpu.memref_slice %arg3[%add3A_90] : memref<425984xi32, #tpu.memory_space<hbm>> -> memref<2048xi32, #tpu.memory_space<hbm>>
      tpu.wait_dma2 semaphore(%arg11 : memref<!tpu.dma_semaphore, #tpu.memory_space<semaphore_mem>>) src(%dma_wait3A_92 : memref<2048xi32, #tpu.memory_space<hbm>>) dst(%arg7 : memref<2048xi32, #tpu.memory_space<vmem>>)
      %scan3A_93 = arith.constant 0 : i32
      %scan3A_94 = arith.constant 0 : i32
      %scan3A_95 = arith.constant 16 : i32
      %scan3A_96 = arith.addi %scan3A_94, %scan3A_95 : i32
      %scan3A_97 = arith.constant 1 : i32
      scf.for %scan3A_289 = %scan3A_94 to %scan3A_96 step %scan3A_97  : i32 {
        %mul3A_290 = arith.constant 128 : i32
        %mul3A_291 = arith.muli %scan3A_289, %mul3A_290 : i32
        %add3A_292 = arith.constant 0 : i32
        %add3A_293 = arith.addi %mul3A_291, %add3A_292 : i32
        %get3A = arith.index_cast %add3A_293 : i32 to index
        %get3A_294 = tpu.vector_load %arg7[%get3A] {strides = array<i32>} : memref<2048xi32, #tpu.memory_space<vmem>>, vector<16xi32>,
        %gather3A = tpu.vector_load_idx %arg6[%get3A_294] : memref<100000xf32, #tpu.memory_space<vmem>>[vector<16xi32>], vector<16xf32>,
        %add3A_295 = arith.constant 0 : i32
        %add3A_296 = arith.addi %mul3A_291, %add3A_295 : i32
        %swap3A = arith.index_cast %add3A_296 : i32 to index
        %swap3A_297 = tpu.vector_load %arg9[%swap3A] {strides = array<i32>} : memref<2048xf32, #tpu.memory_space<vmem>>, vector<16xf32>,
        tpu.vector_store %arg9[%swap3A], %gather3A {strides = array<i32>} : memref<2048xf32, #tpu.memory_space<vmem>>, vector<16xf32>,
        %add3A_298 = arith.constant 16 : i32
        %add3A_299 = arith.addi %mul3A_291, %add3A_298 : i32
        %get3A_300 = arith.index_cast %add3A_299 : i32 to index
        %get3A_301 = tpu.vector_load %arg7[%get3A_300] {strides = array<i32>} : memref<2048xi32, #tpu.memory_space<vmem>>, vector<16xi32>,
        %gather3A_302 = tpu.vector_load_idx %arg6[%get3A_301] : memref<100000xf32, #tpu.memory_space<vmem>>[vector<16xi32>], vector<16xf32>,
        %add3A_303 = arith.constant 16 : i32
        %add3A_304 = arith.addi %mul3A_291, %add3A_303 : i32
        %swap3A_305 = arith.index_cast %add3A_304 : i32 to index
        %swap3A_306 = tpu.vector_load %arg9[%swap3A_305] {strides = array<i32>} : memref<2048xf32, #tpu.memory_space<vmem>>, vector<16xf32>,
        tpu.vector_store %arg9[%swap3A_305], %gather3A_302 {strides = array<i32>} : memref<2048xf32, #tpu.memory_space<vmem>>, vector<16xf32>,
        %add3A_307 = arith.constant 32 : i32
        %add3A_308 = arith.addi %mul3A_291, %add3A_307 : i32
        %get3A_309 = arith.index_cast %add3A_308 : i32 to index
        %get3A_310 = tpu.vector_load %arg7[%get3A_309] {strides = array<i32>} : memref<2048xi32, #tpu.memory_space<vmem>>, vector<16xi32>,
        %gather3A_311 = tpu.vector_load_idx %arg6[%get3A_310] : memref<100000xf32, #tpu.memory_space<vmem>>[vector<16xi32>], vector<16xf32>,
        %add3A_312 = arith.constant 32 : i32
        %add3A_313 = arith.addi %mul3A_291, %add3A_312 : i32
        %swap3A_314 = arith.index_cast %add3A_313 : i32 to index
        %swap3A_315 = tpu.vector_load %arg9[%swap3A_314] {strides = array<i32>} : memref<2048xf32, #tpu.memory_space<vmem>>, vector<16xf32>,
        tpu.vector_store %arg9[%swap3A_314], %gather3A_311 {strides = array<i32>} : memref<2048xf32, #tpu.memory_space<vmem>>, vector<16xf32>,
        %add3A_316 = arith.constant 48 : i32
        %add3A_317 = arith.addi %mul3A_291, %add3A_316 : i32
        %get3A_318 = arith.index_cast %add3A_317 : i32 to index
        %get3A_319 = tpu.vector_load %arg7[%get3A_318] {strides = array<i32>} : memref<2048xi32, #tpu.memory_space<vmem>>, vector<16xi32>,
        %gather3A_320 = tpu.vector_load_idx %arg6[%get3A_319] : memref<100000xf32, #tpu.memory_space<vmem>>[vector<16xi32>], vector<16xf32>,
        %add3A_321 = arith.constant 48 : i32
        %add3A_322 = arith.addi %mul3A_291, %add3A_321 : i32
        %swap3A_323 = arith.index_cast %add3A_322 : i32 to index
        %swap3A_324 = tpu.vector_load %arg9[%swap3A_323] {strides = array<i32>} : memref<2048xf32, #tpu.memory_space<vmem>>, vector<16xf32>,
        tpu.vector_store %arg9[%swap3A_323], %gather3A_320 {strides = array<i32>} : memref<2048xf32, #tpu.memory_space<vmem>>, vector<16xf32>,
        %add3A_325 = arith.constant 64 : i32
        %add3A_326 = arith.addi %mul3A_291, %add3A_325 : i32
        %get3A_327 = arith.index_cast %add3A_326 : i32 to index
        %get3A_328 = tpu.vector_load %arg7[%get3A_327] {strides = array<i32>} : memref<2048xi32, #tpu.memory_space<vmem>>, vector<16xi32>,
        %gather3A_329 = tpu.vector_load_idx %arg6[%get3A_328] : memref<100000xf32, #tpu.memory_space<vmem>>[vector<16xi32>], vector<16xf32>,
        %add3A_330 = arith.constant 64 : i32
        %add3A_331 = arith.addi %mul3A_291, %add3A_330 : i32
        %swap3A_332 = arith.index_cast %add3A_331 : i32 to index
        %swap3A_333 = tpu.vector_load %arg9[%swap3A_332] {strides = array<i32>} : memref<2048xf32, #tpu.memory_space<vmem>>, vector<16xf32>,
        tpu.vector_store %arg9[%swap3A_332], %gather3A_329 {strides = array<i32>} : memref<2048xf32, #tpu.memory_space<vmem>>, vector<16xf32>,
        %add3A_334 = arith.constant 80 : i32
        %add3A_335 = arith.addi %mul3A_291, %add3A_334 : i32
        %get3A_336 = arith.index_cast %add3A_335 : i32 to index
        %get3A_337 = tpu.vector_load %arg7[%get3A_336] {strides = array<i32>} : memref<2048xi32, #tpu.memory_space<vmem>>, vector<16xi32>,
        %gather3A_338 = tpu.vector_load_idx %arg6[%get3A_337] : memref<100000xf32, #tpu.memory_space<vmem>>[vector<16xi32>], vector<16xf32>,
        %add3A_339 = arith.constant 80 : i32
        %add3A_340 = arith.addi %mul3A_291, %add3A_339 : i32
        %swap3A_341 = arith.index_cast %add3A_340 : i32 to index
        %swap3A_342 = tpu.vector_load %arg9[%swap3A_341] {strides = array<i32>} : memref<2048xf32, #tpu.memory_space<vmem>>, vector<16xf32>,
        tpu.vector_store %arg9[%swap3A_341], %gather3A_338 {strides = array<i32>} : memref<2048xf32, #tpu.memory_space<vmem>>, vector<16xf32>,
        %add3A_343 = arith.constant 96 : i32
        %add3A_344 = arith.addi %mul3A_291, %add3A_343 : i32
        %get3A_345 = arith.index_cast %add3A_344 : i32 to index
        %get3A_346 = tpu.vector_load %arg7[%get3A_345] {strides = array<i32>} : memref<2048xi32, #tpu.memory_space<vmem>>, vector<16xi32>,
        %gather3A_347 = tpu.vector_load_idx %arg6[%get3A_346] : memref<100000xf32, #tpu.memory_space<vmem>>[vector<16xi32>], vector<16xf32>,
        %add3A_348 = arith.constant 96 : i32
        %add3A_349 = arith.addi %mul3A_291, %add3A_348 : i32
        %swap3A_350 = arith.index_cast %add3A_349 : i32 to index
        %swap3A_351 = tpu.vector_load %arg9[%swap3A_350] {strides = array<i32>} : memref<2048xf32, #tpu.memory_space<vmem>>, vector<16xf32>,
        tpu.vector_store %arg9[%swap3A_350], %gather3A_347 {strides = array<i32>} : memref<2048xf32, #tpu.memory_space<vmem>>, vector<16xf32>,
        %add3A_352 = arith.constant 112 : i32
        %add3A_353 = arith.addi %mul3A_291, %add3A_352 : i32
        %get3A_354 = arith.index_cast %add3A_353 : i32 to index
        %get3A_355 = tpu.vector_load %arg7[%get3A_354] {strides = array<i32>} : memref<2048xi32, #tpu.memory_space<vmem>>, vector<16xi32>,
        %gather3A_356 = tpu.vector_load_idx %arg6[%get3A_355] : memref<100000xf32, #tpu.memory_space<vmem>>[vector<16xi32>], vector<16xf32>,
        %add3A_357 = arith.constant 112 : i32
        %add3A_358 = arith.addi %mul3A_291, %add3A_357 : i32
        %swap3A_359 = arith.index_cast %add3A_358 : i32 to index
        %swap3A_360 = tpu.vector_load %arg9[%swap3A_359] {strides = array<i32>} : memref<2048xf32, #tpu.memory_space<vmem>>, vector<16xf32>,
        tpu.vector_store %arg9[%swap3A_359], %gather3A_356 {strides = array<i32>} : memref<2048xf32, #tpu.memory_space<vmem>>, vector<16xf32>,
      }
      %scan3A_98 = arith.constant 16 : i32
      %dma_start3A_99 = arith.constant 0 : i32
      %dma_start3A_100 = tpu.memref_slice %arg5[%add3A_9, %dma_start3A_99] : memref<416x16384xf32, #tpu.memory_space<hbm>> -> memref<1x2048xf32, #tpu.memory_space<hbm>>
      %dma_start3A_101 = tpu.memref_squeeze %dma_start3A_100 : memref<1x2048xf32, #tpu.memory_space<hbm>> -> memref<2048xf32, #tpu.memory_space<hbm>>
      %dma_start3A_102 = arith.constant 0 : i32
      %dma_start3A_103 = tpu.memref_slice %arg5[%add3A_9, %dma_start3A_102] : memref<416x16384xf32, #tpu.memory_space<hbm>> -> memref<1x2048xf32, #tpu.memory_space<hbm>>
      %dma_start3A_104 = tpu.memref_squeeze %dma_start3A_103 : memref<1x2048xf32, #tpu.memory_space<hbm>> -> memref<2048xf32, #tpu.memory_space<hbm>>
      tpu.enqueue_dma source(%arg9 : memref<2048xf32, #tpu.memory_space<vmem>>) target(%dma_start3A_104 : memref<2048xf32, #tpu.memory_space<hbm>>) target_semaphore(%arg13 : memref<!tpu.dma_semaphore, #tpu.memory_space<semaphore_mem>>)
      %add3A_105 = arith.constant 4096 : i32
      %add3A_106 = arith.addi %mul3A_12, %add3A_105 : i32
      %dma_start3A_107 = tpu.memref_slice %arg3[%add3A_106] : memref<425984xi32, #tpu.memory_space<hbm>> -> memref<2048xi32, #tpu.memory_space<hbm>>
      %dma_start3A_108 = tpu.memref_slice %arg3[%add3A_106] : memref<425984xi32, #tpu.memory_space<hbm>> -> memref<2048xi32, #tpu.memory_space<hbm>>
      tpu.enqueue_dma source(%dma_start3A_108 : memref<2048xi32, #tpu.memory_space<hbm>>) target(%arg7 : memref<2048xi32, #tpu.memory_space<vmem>>) target_semaphore(%arg11 : memref<!tpu.dma_semaphore, #tpu.memory_space<semaphore_mem>>)
      %add3A_109 = arith.constant 2048 : i32
      %add3A_110 = arith.addi %mul3A_12, %add3A_109 : i32
      %dma_wait3A_111 = tpu.memref_slice %arg3[%add3A_110] : memref<425984xi32, #tpu.memory_space<hbm>> -> memref<2048xi32, #tpu.memory_space<hbm>>
      %dma_wait3A_112 = tpu.memref_slice %arg3[%add3A_110] : memref<425984xi32, #tpu.memory_space<hbm>> -> memref<2048xi32, #tpu.memory_space<hbm>>
      tpu.wait_dma2 semaphore(%arg12 : memref<!tpu.dma_semaphore, #tpu.memory_space<semaphore_mem>>) src(%dma_wait3A_112 : memref<2048xi32, #tpu.memory_space<hbm>>) dst(%arg8 : memref<2048xi32, #tpu.memory_space<vmem>>)
      %scan3A_113 = arith.constant 0 : i32
      %scan3A_114 = arith.constant 0 : i32
      %scan3A_115 = arith.constant 16 : i32
      %scan3A_116 = arith.addi %scan3A_114, %scan3A_115 : i32
      %scan3A_117 = arith.constant 1 : i32
      scf.for %scan3A_289 = %scan3A_114 to %scan3A_116 step %scan3A_117  : i32 {
        %mul3A_290 = arith.constant 128 : i32
        %mul3A_291 = arith.muli %scan3A_289, %mul3A_290 : i32
        %add3A_292 = arith.constant 0 : i32
        %add3A_293 = arith.addi %mul3A_291, %add3A_292 : i32
        %get3A = arith.index_cast %add3A_293 : i32 to index
        %get3A_294 = tpu.vector_load %arg8[%get3A] {strides = array<i32>} : memref<2048xi32, #tpu.memory_space<vmem>>, vector<16xi32>,
        %gather3A = tpu.vector_load_idx %arg6[%get3A_294] : memref<100000xf32, #tpu.memory_space<vmem>>[vector<16xi32>], vector<16xf32>,
        %add3A_295 = arith.constant 0 : i32
        %add3A_296 = arith.addi %mul3A_291, %add3A_295 : i32
        %swap3A = arith.index_cast %add3A_296 : i32 to index
        %swap3A_297 = tpu.vector_load %arg10[%swap3A] {strides = array<i32>} : memref<2048xf32, #tpu.memory_space<vmem>>, vector<16xf32>,
        tpu.vector_store %arg10[%swap3A], %gather3A {strides = array<i32>} : memref<2048xf32, #tpu.memory_space<vmem>>, vector<16xf32>,
        %add3A_298 = arith.constant 16 : i32
        %add3A_299 = arith.addi %mul3A_291, %add3A_298 : i32
        %get3A_300 = arith.index_cast %add3A_299 : i32 to index
        %get3A_301 = tpu.vector_load %arg8[%get3A_300] {strides = array<i32>} : memref<2048xi32, #tpu.memory_space<vmem>>, vector<16xi32>,
        %gather3A_302 = tpu.vector_load_idx %arg6[%get3A_301] : memref<100000xf32, #tpu.memory_space<vmem>>[vector<16xi32>], vector<16xf32>,
        %add3A_303 = arith.constant 16 : i32
        %add3A_304 = arith.addi %mul3A_291, %add3A_303 : i32
        %swap3A_305 = arith.index_cast %add3A_304 : i32 to index
        %swap3A_306 = tpu.vector_load %arg10[%swap3A_305] {strides = array<i32>} : memref<2048xf32, #tpu.memory_space<vmem>>, vector<16xf32>,
        tpu.vector_store %arg10[%swap3A_305], %gather3A_302 {strides = array<i32>} : memref<2048xf32, #tpu.memory_space<vmem>>, vector<16xf32>,
        %add3A_307 = arith.constant 32 : i32
        %add3A_308 = arith.addi %mul3A_291, %add3A_307 : i32
        %get3A_309 = arith.index_cast %add3A_308 : i32 to index
        %get3A_310 = tpu.vector_load %arg8[%get3A_309] {strides = array<i32>} : memref<2048xi32, #tpu.memory_space<vmem>>, vector<16xi32>,
        %gather3A_311 = tpu.vector_load_idx %arg6[%get3A_310] : memref<100000xf32, #tpu.memory_space<vmem>>[vector<16xi32>], vector<16xf32>,
        %add3A_312 = arith.constant 32 : i32
        %add3A_313 = arith.addi %mul3A_291, %add3A_312 : i32
        %swap3A_314 = arith.index_cast %add3A_313 : i32 to index
        %swap3A_315 = tpu.vector_load %arg10[%swap3A_314] {strides = array<i32>} : memref<2048xf32, #tpu.memory_space<vmem>>, vector<16xf32>,
        tpu.vector_store %arg10[%swap3A_314], %gather3A_311 {strides = array<i32>} : memref<2048xf32, #tpu.memory_space<vmem>>, vector<16xf32>,
        %add3A_316 = arith.constant 48 : i32
        %add3A_317 = arith.addi %mul3A_291, %add3A_316 : i32
        %get3A_318 = arith.index_cast %add3A_317 : i32 to index
        %get3A_319 = tpu.vector_load %arg8[%get3A_318] {strides = array<i32>} : memref<2048xi32, #tpu.memory_space<vmem>>, vector<16xi32>,
        %gather3A_320 = tpu.vector_load_idx %arg6[%get3A_319] : memref<100000xf32, #tpu.memory_space<vmem>>[vector<16xi32>], vector<16xf32>,
        %add3A_321 = arith.constant 48 : i32
        %add3A_322 = arith.addi %mul3A_291, %add3A_321 : i32
        %swap3A_323 = arith.index_cast %add3A_322 : i32 to index
        %swap3A_324 = tpu.vector_load %arg10[%swap3A_323] {strides = array<i32>} : memref<2048xf32, #tpu.memory_space<vmem>>, vector<16xf32>,
        tpu.vector_store %arg10[%swap3A_323], %gather3A_320 {strides = array<i32>} : memref<2048xf32, #tpu.memory_space<vmem>>, vector<16xf32>,
        %add3A_325 = arith.constant 64 : i32
        %add3A_326 = arith.addi %mul3A_291, %add3A_325 : i32
        %get3A_327 = arith.index_cast %add3A_326 : i32 to index
        %get3A_328 = tpu.vector_load %arg8[%get3A_327] {strides = array<i32>} : memref<2048xi32, #tpu.memory_space<vmem>>, vector<16xi32>,
        %gather3A_329 = tpu.vector_load_idx %arg6[%get3A_328] : memref<100000xf32, #tpu.memory_space<vmem>>[vector<16xi32>], vector<16xf32>,
        %add3A_330 = arith.constant 64 : i32
        %add3A_331 = arith.addi %mul3A_291, %add3A_330 : i32
        %swap3A_332 = arith.index_cast %add3A_331 : i32 to index
        %swap3A_333 = tpu.vector_load %arg10[%swap3A_332] {strides = array<i32>} : memref<2048xf32, #tpu.memory_space<vmem>>, vector<16xf32>,
        tpu.vector_store %arg10[%swap3A_332], %gather3A_329 {strides = array<i32>} : memref<2048xf32, #tpu.memory_space<vmem>>, vector<16xf32>,
        %add3A_334 = arith.constant 80 : i32
        %add3A_335 = arith.addi %mul3A_291, %add3A_334 : i32
        %get3A_336 = arith.index_cast %add3A_335 : i32 to index
        %get3A_337 = tpu.vector_load %arg8[%get3A_336] {strides = array<i32>} : memref<2048xi32, #tpu.memory_space<vmem>>, vector<16xi32>,
        %gather3A_338 = tpu.vector_load_idx %arg6[%get3A_337] : memref<100000xf32, #tpu.memory_space<vmem>>[vector<16xi32>], vector<16xf32>,
        %add3A_339 = arith.constant 80 : i32
        %add3A_340 = arith.addi %mul3A_291, %add3A_339 : i32
        %swap3A_341 = arith.index_cast %add3A_340 : i32 to index
        %swap3A_342 = tpu.vector_load %arg10[%swap3A_341] {strides = array<i32>} : memref<2048xf32, #tpu.memory_space<vmem>>, vector<16xf32>,
        tpu.vector_store %arg10[%swap3A_341], %gather3A_338 {strides = array<i32>} : memref<2048xf32, #tpu.memory_space<vmem>>, vector<16xf32>,
        %add3A_343 = arith.constant 96 : i32
        %add3A_344 = arith.addi %mul3A_291, %add3A_343 : i32
        %get3A_345 = arith.index_cast %add3A_344 : i32 to index
        %get3A_346 = tpu.vector_load %arg8[%get3A_345] {strides = array<i32>} : memref<2048xi32, #tpu.memory_space<vmem>>, vector<16xi32>,
        %gather3A_347 = tpu.vector_load_idx %arg6[%get3A_346] : memref<100000xf32, #tpu.memory_space<vmem>>[vector<16xi32>], vector<16xf32>,
        %add3A_348 = arith.constant 96 : i32
        %add3A_349 = arith.addi %mul3A_291, %add3A_348 : i32
        %swap3A_350 = arith.index_cast %add3A_349 : i32 to index
        %swap3A_351 = tpu.vector_load %arg10[%swap3A_350] {strides = array<i32>} : memref<2048xf32, #tpu.memory_space<vmem>>, vector<16xf32>,
        tpu.vector_store %arg10[%swap3A_350], %gather3A_347 {strides = array<i32>} : memref<2048xf32, #tpu.memory_space<vmem>>, vector<16xf32>,
        %add3A_352 = arith.constant 112 : i32
        %add3A_353 = arith.addi %mul3A_291, %add3A_352 : i32
        %get3A_354 = arith.index_cast %add3A_353 : i32 to index
        %get3A_355 = tpu.vector_load %arg8[%get3A_354] {strides = array<i32>} : memref<2048xi32, #tpu.memory_space<vmem>>, vector<16xi32>,
        %gather3A_356 = tpu.vector_load_idx %arg6[%get3A_355] : memref<100000xf32, #tpu.memory_space<vmem>>[vector<16xi32>], vector<16xf32>,
        %add3A_357 = arith.constant 112 : i32
        %add3A_358 = arith.addi %mul3A_291, %add3A_357 : i32
        %swap3A_359 = arith.index_cast %add3A_358 : i32 to index
        %swap3A_360 = tpu.vector_load %arg10[%swap3A_359] {strides = array<i32>} : memref<2048xf32, #tpu.memory_space<vmem>>, vector<16xf32>,
        tpu.vector_store %arg10[%swap3A_359], %gather3A_356 {strides = array<i32>} : memref<2048xf32, #tpu.memory_space<vmem>>, vector<16xf32>,
      }
      %scan3A_118 = arith.constant 16 : i32
      %dma_start3A_119 = arith.constant 2048 : i32
      %dma_start3A_120 = tpu.memref_slice %arg5[%add3A_9, %dma_start3A_119] : memref<416x16384xf32, #tpu.memory_space<hbm>> -> memref<1x2048xf32, #tpu.memory_space<hbm>>
      %dma_start3A_121 = tpu.memref_squeeze %dma_start3A_120 : memref<1x2048xf32, #tpu.memory_space<hbm>> -> memref<2048xf32, #tpu.memory_space<hbm>>
      %dma_start3A_122 = arith.constant 2048 : i32
      %dma_start3A_123 = tpu.memref_slice %arg5[%add3A_9, %dma_start3A_122] : memref<416x16384xf32, #tpu.memory_space<hbm>> -> memref<1x2048xf32, #tpu.memory_space<hbm>>
      %dma_start3A_124 = tpu.memref_squeeze %dma_start3A_123 : memref<1x2048xf32, #tpu.memory_space<hbm>> -> memref<2048xf32, #tpu.memory_space<hbm>>
      tpu.enqueue_dma source(%arg10 : memref<2048xf32, #tpu.memory_space<vmem>>) target(%dma_start3A_124 : memref<2048xf32, #tpu.memory_space<hbm>>) target_semaphore(%arg14 : memref<!tpu.dma_semaphore, #tpu.memory_space<semaphore_mem>>)
      %add3A_125 = arith.constant 6144 : i32
      %add3A_126 = arith.addi %mul3A_12, %add3A_125 : i32
      %dma_start3A_127 = tpu.memref_slice %arg3[%add3A_126] : memref<425984xi32, #tpu.memory_space<hbm>> -> memref<2048xi32, #tpu.memory_space<hbm>>
      %dma_start3A_128 = tpu.memref_slice %arg3[%add3A_126] : memref<425984xi32, #tpu.memory_space<hbm>> -> memref<2048xi32, #tpu.memory_space<hbm>>
      tpu.enqueue_dma source(%dma_start3A_128 : memref<2048xi32, #tpu.memory_space<hbm>>) target(%arg8 : memref<2048xi32, #tpu.memory_space<vmem>>) target_semaphore(%arg12 : memref<!tpu.dma_semaphore, #tpu.memory_space<semaphore_mem>>)
      %dma_wait3A_129 = arith.constant 0 : i32
      %dma_wait3A_130 = tpu.memref_slice %arg5[%add3A_9, %dma_wait3A_129] : memref<416x16384xf32, #tpu.memory_space<hbm>> -> memref<1x2048xf32, #tpu.memory_space<hbm>>
      %dma_wait3A_131 = tpu.memref_squeeze %dma_wait3A_130 : memref<1x2048xf32, #tpu.memory_space<hbm>> -> memref<2048xf32, #tpu.memory_space<hbm>>
      %dma_wait3A_132 = arith.constant 0 : i32
      %dma_wait3A_133 = tpu.memref_slice %arg5[%add3A_9, %dma_wait3A_132] : memref<416x16384xf32, #tpu.memory_space<hbm>> -> memref<1x2048xf32, #tpu.memory_space<hbm>>
      %dma_wait3A_134 = tpu.memref_squeeze %dma_wait3A_133 : memref<1x2048xf32, #tpu.memory_space<hbm>> -> memref<2048xf32, #tpu.memory_space<hbm>>
      tpu.wait_dma2 semaphore(%arg13 : memref<!tpu.dma_semaphore, #tpu.memory_space<semaphore_mem>>) src(%arg9 : memref<2048xf32, #tpu.memory_space<vmem>>) dst(%dma_wait3A_134 : memref<2048xf32, #tpu.memory_space<hbm>>)
      %add3A_135 = arith.constant 4096 : i32
      %add3A_136 = arith.addi %mul3A_12, %add3A_135 : i32
      %dma_wait3A_137 = tpu.memref_slice %arg3[%add3A_136] : memref<425984xi32, #tpu.memory_space<hbm>> -> memref<2048xi32, #tpu.memory_space<hbm>>
      %dma_wait3A_138 = tpu.memref_slice %arg3[%add3A_136] : memref<425984xi32, #tpu.memory_space<hbm>> -> memref<2048xi32, #tpu.memory_space<hbm>>
      tpu.wait_dma2 semaphore(%arg11 : memref<!tpu.dma_semaphore, #tpu.memory_space<semaphore_mem>>) src(%dma_wait3A_138 : memref<2048xi32, #tpu.memory_space<hbm>>) dst(%arg7 : memref<2048xi32, #tpu.memory_space<vmem>>)
      %scan3A_139 = arith.constant 0 : i32
      %scan3A_140 = arith.constant 0 : i32
      %scan3A_141 = arith.constant 16 : i32
      %scan3A_142 = arith.addi %scan3A_140, %scan3A_141 : i32
      %scan3A_143 = arith.constant 1 : i32
      scf.for %scan3A_289 = %scan3A_140 to %scan3A_142 step %scan3A_143  : i32 {
        %mul3A_290 = arith.constant 128 : i32
        %mul3A_291 = arith.muli %scan3A_289, %mul3A_290 : i32
        %add3A_292 = arith.constant 0 : i32
        %add3A_293 = arith.addi %mul3A_291, %add3A_292 : i32
        %get3A = arith.index_cast %add3A_293 : i32 to index
        %get3A_294 = tpu.vector_load %arg7[%get3A] {strides = array<i32>} : memref<2048xi32, #tpu.memory_space<vmem>>, vector<16xi32>,
        %gather3A = tpu.vector_load_idx %arg6[%get3A_294] : memref<100000xf32, #tpu.memory_space<vmem>>[vector<16xi32>], vector<16xf32>,
        %add3A_295 = arith.constant 0 : i32
        %add3A_296 = arith.addi %mul3A_291, %add3A_295 : i32
        %swap3A = arith.index_cast %add3A_296 : i32 to index
        %swap3A_297 = tpu.vector_load %arg9[%swap3A] {strides = array<i32>} : memref<2048xf32, #tpu.memory_space<vmem>>, vector<16xf32>,
        tpu.vector_store %arg9[%swap3A], %gather3A {strides = array<i32>} : memref<2048xf32, #tpu.memory_space<vmem>>, vector<16xf32>,
        %add3A_298 = arith.constant 16 : i32
        %add3A_299 = arith.addi %mul3A_291, %add3A_298 : i32
        %get3A_300 = arith.index_cast %add3A_299 : i32 to index
        %get3A_301 = tpu.vector_load %arg7[%get3A_300] {strides = array<i32>} : memref<2048xi32, #tpu.memory_space<vmem>>, vector<16xi32>,
        %gather3A_302 = tpu.vector_load_idx %arg6[%get3A_301] : memref<100000xf32, #tpu.memory_space<vmem>>[vector<16xi32>], vector<16xf32>,
        %add3A_303 = arith.constant 16 : i32
        %add3A_304 = arith.addi %mul3A_291, %add3A_303 : i32
        %swap3A_305 = arith.index_cast %add3A_304 : i32 to index
        %swap3A_306 = tpu.vector_load %arg9[%swap3A_305] {strides = array<i32>} : memref<2048xf32, #tpu.memory_space<vmem>>, vector<16xf32>,
        tpu.vector_store %arg9[%swap3A_305], %gather3A_302 {strides = array<i32>} : memref<2048xf32, #tpu.memory_space<vmem>>, vector<16xf32>,
        %add3A_307 = arith.constant 32 : i32
        %add3A_308 = arith.addi %mul3A_291, %add3A_307 : i32
        %get3A_309 = arith.index_cast %add3A_308 : i32 to index
        %get3A_310 = tpu.vector_load %arg7[%get3A_309] {strides = array<i32>} : memref<2048xi32, #tpu.memory_space<vmem>>, vector<16xi32>,
        %gather3A_311 = tpu.vector_load_idx %arg6[%get3A_310] : memref<100000xf32, #tpu.memory_space<vmem>>[vector<16xi32>], vector<16xf32>,
        %add3A_312 = arith.constant 32 : i32
        %add3A_313 = arith.addi %mul3A_291, %add3A_312 : i32
        %swap3A_314 = arith.index_cast %add3A_313 : i32 to index
        %swap3A_315 = tpu.vector_load %arg9[%swap3A_314] {strides = array<i32>} : memref<2048xf32, #tpu.memory_space<vmem>>, vector<16xf32>,
        tpu.vector_store %arg9[%swap3A_314], %gather3A_311 {strides = array<i32>} : memref<2048xf32, #tpu.memory_space<vmem>>, vector<16xf32>,
        %add3A_316 = arith.constant 48 : i32
        %add3A_317 = arith.addi %mul3A_291, %add3A_316 : i32
        %get3A_318 = arith.index_cast %add3A_317 : i32 to index
        %get3A_319 = tpu.vector_load %arg7[%get3A_318] {strides = array<i32>} : memref<2048xi32, #tpu.memory_space<vmem>>, vector<16xi32>,
        %gather3A_320 = tpu.vector_load_idx %arg6[%get3A_319] : memref<100000xf32, #tpu.memory_space<vmem>>[vector<16xi32>], vector<16xf32>,
        %add3A_321 = arith.constant 48 : i32
        %add3A_322 = arith.addi %mul3A_291, %add3A_321 : i32
        %swap3A_323 = arith.index_cast %add3A_322 : i32 to index
        %swap3A_324 = tpu.vector_load %arg9[%swap3A_323] {strides = array<i32>} : memref<2048xf32, #tpu.memory_space<vmem>>, vector<16xf32>,
        tpu.vector_store %arg9[%swap3A_323], %gather3A_320 {strides = array<i32>} : memref<2048xf32, #tpu.memory_space<vmem>>, vector<16xf32>,
        %add3A_325 = arith.constant 64 : i32
        %add3A_326 = arith.addi %mul3A_291, %add3A_325 : i32
        %get3A_327 = arith.index_cast %add3A_326 : i32 to index
        %get3A_328 = tpu.vector_load %arg7[%get3A_327] {strides = array<i32>} : memref<2048xi32, #tpu.memory_space<vmem>>, vector<16xi32>,
        %gather3A_329 = tpu.vector_load_idx %arg6[%get3A_328] : memref<100000xf32, #tpu.memory_space<vmem>>[vector<16xi32>], vector<16xf32>,
        %add3A_330 = arith.constant 64 : i32
        %add3A_331 = arith.addi %mul3A_291, %add3A_330 : i32
        %swap3A_332 = arith.index_cast %add3A_331 : i32 to index
        %swap3A_333 = tpu.vector_load %arg9[%swap3A_332] {strides = array<i32>} : memref<2048xf32, #tpu.memory_space<vmem>>, vector<16xf32>,
        tpu.vector_store %arg9[%swap3A_332], %gather3A_329 {strides = array<i32>} : memref<2048xf32, #tpu.memory_space<vmem>>, vector<16xf32>,
        %add3A_334 = arith.constant 80 : i32
        %add3A_335 = arith.addi %mul3A_291, %add3A_334 : i32
        %get3A_336 = arith.index_cast %add3A_335 : i32 to index
        %get3A_337 = tpu.vector_load %arg7[%get3A_336] {strides = array<i32>} : memref<2048xi32, #tpu.memory_space<vmem>>, vector<16xi32>,
        %gather3A_338 = tpu.vector_load_idx %arg6[%get3A_337] : memref<100000xf32, #tpu.memory_space<vmem>>[vector<16xi32>], vector<16xf32>,
        %add3A_339 = arith.constant 80 : i32
        %add3A_340 = arith.addi %mul3A_291, %add3A_339 : i32
        %swap3A_341 = arith.index_cast %add3A_340 : i32 to index
        %swap3A_342 = tpu.vector_load %arg9[%swap3A_341] {strides = array<i32>} : memref<2048xf32, #tpu.memory_space<vmem>>, vector<16xf32>,
        tpu.vector_store %arg9[%swap3A_341], %gather3A_338 {strides = array<i32>} : memref<2048xf32, #tpu.memory_space<vmem>>, vector<16xf32>,
        %add3A_343 = arith.constant 96 : i32
        %add3A_344 = arith.addi %mul3A_291, %add3A_343 : i32
        %get3A_345 = arith.index_cast %add3A_344 : i32 to index
        %get3A_346 = tpu.vector_load %arg7[%get3A_345] {strides = array<i32>} : memref<2048xi32, #tpu.memory_space<vmem>>, vector<16xi32>,
        %gather3A_347 = tpu.vector_load_idx %arg6[%get3A_346] : memref<100000xf32, #tpu.memory_space<vmem>>[vector<16xi32>], vector<16xf32>,
        %add3A_348 = arith.constant 96 : i32
        %add3A_349 = arith.addi %mul3A_291, %add3A_348 : i32
        %swap3A_350 = arith.index_cast %add3A_349 : i32 to index
        %swap3A_351 = tpu.vector_load %arg9[%swap3A_350] {strides = array<i32>} : memref<2048xf32, #tpu.memory_space<vmem>>, vector<16xf32>,
        tpu.vector_store %arg9[%swap3A_350], %gather3A_347 {strides = array<i32>} : memref<2048xf32, #tpu.memory_space<vmem>>, vector<16xf32>,
        %add3A_352 = arith.constant 112 : i32
        %add3A_353 = arith.addi %mul3A_291, %add3A_352 : i32
        %get3A_354 = arith.index_cast %add3A_353 : i32 to index
        %get3A_355 = tpu.vector_load %arg7[%get3A_354] {strides = array<i32>} : memref<2048xi32, #tpu.memory_space<vmem>>, vector<16xi32>,
        %gather3A_356 = tpu.vector_load_idx %arg6[%get3A_355] : memref<100000xf32, #tpu.memory_space<vmem>>[vector<16xi32>], vector<16xf32>,
        %add3A_357 = arith.constant 112 : i32
        %add3A_358 = arith.addi %mul3A_291, %add3A_357 : i32
        %swap3A_359 = arith.index_cast %add3A_358 : i32 to index
        %swap3A_360 = tpu.vector_load %arg9[%swap3A_359] {strides = array<i32>} : memref<2048xf32, #tpu.memory_space<vmem>>, vector<16xf32>,
        tpu.vector_store %arg9[%swap3A_359], %gather3A_356 {strides = array<i32>} : memref<2048xf32, #tpu.memory_space<vmem>>, vector<16xf32>,
      }
      %scan3A_144 = arith.constant 16 : i32
      %dma_start3A_145 = arith.constant 4096 : i32
      %dma_start3A_146 = tpu.memref_slice %arg5[%add3A_9, %dma_start3A_145] : memref<416x16384xf32, #tpu.memory_space<hbm>> -> memref<1x2048xf32, #tpu.memory_space<hbm>>
      %dma_start3A_147 = tpu.memref_squeeze %dma_start3A_146 : memref<1x2048xf32, #tpu.memory_space<hbm>> -> memref<2048xf32, #tpu.memory_space<hbm>>
      %dma_start3A_148 = arith.constant 4096 : i32
      %dma_start3A_149 = tpu.memref_slice %arg5[%add3A_9, %dma_start3A_148] : memref<416x16384xf32, #tpu.memory_space<hbm>> -> memref<1x2048xf32, #tpu.memory_space<hbm>>
      %dma_start3A_150 = tpu.memref_squeeze %dma_start3A_149 : memref<1x2048xf32, #tpu.memory_space<hbm>> -> memref<2048xf32, #tpu.memory_space<hbm>>
      tpu.enqueue_dma source(%arg9 : memref<2048xf32, #tpu.memory_space<vmem>>) target(%dma_start3A_150 : memref<2048xf32, #tpu.memory_space<hbm>>) target_semaphore(%arg13 : memref<!tpu.dma_semaphore, #tpu.memory_space<semaphore_mem>>)
      %add3A_151 = arith.constant 8192 : i32
      %add3A_152 = arith.addi %mul3A_12, %add3A_151 : i32
      %dma_start3A_153 = tpu.memref_slice %arg3[%add3A_152] : memref<425984xi32, #tpu.memory_space<hbm>> -> memref<2048xi32, #tpu.memory_space<hbm>>
      %dma_start3A_154 = tpu.memref_slice %arg3[%add3A_152] : memref<425984xi32, #tpu.memory_space<hbm>> -> memref<2048xi32, #tpu.memory_space<hbm>>
      tpu.enqueue_dma source(%dma_start3A_154 : memref<2048xi32, #tpu.memory_space<hbm>>) target(%arg7 : memref<2048xi32, #tpu.memory_space<vmem>>) target_semaphore(%arg11 : memref<!tpu.dma_semaphore, #tpu.memory_space<semaphore_mem>>)
      %dma_wait3A_155 = arith.constant 2048 : i32
      %dma_wait3A_156 = tpu.memref_slice %arg5[%add3A_9, %dma_wait3A_155] : memref<416x16384xf32, #tpu.memory_space<hbm>> -> memref<1x2048xf32, #tpu.memory_space<hbm>>
      %dma_wait3A_157 = tpu.memref_squeeze %dma_wait3A_156 : memref<1x2048xf32, #tpu.memory_space<hbm>> -> memref<2048xf32, #tpu.memory_space<hbm>>
      %dma_wait3A_158 = arith.constant 2048 : i32
      %dma_wait3A_159 = tpu.memref_slice %arg5[%add3A_9, %dma_wait3A_158] : memref<416x16384xf32, #tpu.memory_space<hbm>> -> memref<1x2048xf32, #tpu.memory_space<hbm>>
      %dma_wait3A_160 = tpu.memref_squeeze %dma_wait3A_159 : memref<1x2048xf32, #tpu.memory_space<hbm>> -> memref<2048xf32, #tpu.memory_space<hbm>>
      tpu.wait_dma2 semaphore(%arg14 : memref<!tpu.dma_semaphore, #tpu.memory_space<semaphore_mem>>) src(%arg10 : memref<2048xf32, #tpu.memory_space<vmem>>) dst(%dma_wait3A_160 : memref<2048xf32, #tpu.memory_space<hbm>>)
      %add3A_161 = arith.constant 6144 : i32
      %add3A_162 = arith.addi %mul3A_12, %add3A_161 : i32
      %dma_wait3A_163 = tpu.memref_slice %arg3[%add3A_162] : memref<425984xi32, #tpu.memory_space<hbm>> -> memref<2048xi32, #tpu.memory_space<hbm>>
      %dma_wait3A_164 = tpu.memref_slice %arg3[%add3A_162] : memref<425984xi32, #tpu.memory_space<hbm>> -> memref<2048xi32, #tpu.memory_space<hbm>>
      tpu.wait_dma2 semaphore(%arg12 : memref<!tpu.dma_semaphore, #tpu.memory_space<semaphore_mem>>) src(%dma_wait3A_164 : memref<2048xi32, #tpu.memory_space<hbm>>) dst(%arg8 : memref<2048xi32, #tpu.memory_space<vmem>>)
      %scan3A_165 = arith.constant 0 : i32
      %scan3A_166 = arith.constant 0 : i32
      %scan3A_167 = arith.constant 16 : i32
      %scan3A_168 = arith.addi %scan3A_166, %scan3A_167 : i32
      %scan3A_169 = arith.constant 1 : i32
      scf.for %scan3A_289 = %scan3A_166 to %scan3A_168 step %scan3A_169  : i32 {
        %mul3A_290 = arith.constant 128 : i32
        %mul3A_291 = arith.muli %scan3A_289, %mul3A_290 : i32
        %add3A_292 = arith.constant 0 : i32
        %add3A_293 = arith.addi %mul3A_291, %add3A_292 : i32
        %get3A = arith.index_cast %add3A_293 : i32 to index
        %get3A_294 = tpu.vector_load %arg8[%get3A] {strides = array<i32>} : memref<2048xi32, #tpu.memory_space<vmem>>, vector<16xi32>,
        %gather3A = tpu.vector_load_idx %arg6[%get3A_294] : memref<100000xf32, #tpu.memory_space<vmem>>[vector<16xi32>], vector<16xf32>,
        %add3A_295 = arith.constant 0 : i32
        %add3A_296 = arith.addi %mul3A_291, %add3A_295 : i32
        %swap3A = arith.index_cast %add3A_296 : i32 to index
        %swap3A_297 = tpu.vector_load %arg10[%swap3A] {strides = array<i32>} : memref<2048xf32, #tpu.memory_space<vmem>>, vector<16xf32>,
        tpu.vector_store %arg10[%swap3A], %gather3A {strides = array<i32>} : memref<2048xf32, #tpu.memory_space<vmem>>, vector<16xf32>,
        %add3A_298 = arith.constant 16 : i32
        %add3A_299 = arith.addi %mul3A_291, %add3A_298 : i32
        %get3A_300 = arith.index_cast %add3A_299 : i32 to index
        %get3A_301 = tpu.vector_load %arg8[%get3A_300] {strides = array<i32>} : memref<2048xi32, #tpu.memory_space<vmem>>, vector<16xi32>,
        %gather3A_302 = tpu.vector_load_idx %arg6[%get3A_301] : memref<100000xf32, #tpu.memory_space<vmem>>[vector<16xi32>], vector<16xf32>,
        %add3A_303 = arith.constant 16 : i32
        %add3A_304 = arith.addi %mul3A_291, %add3A_303 : i32
        %swap3A_305 = arith.index_cast %add3A_304 : i32 to index
        %swap3A_306 = tpu.vector_load %arg10[%swap3A_305] {strides = array<i32>} : memref<2048xf32, #tpu.memory_space<vmem>>, vector<16xf32>,
        tpu.vector_store %arg10[%swap3A_305], %gather3A_302 {strides = array<i32>} : memref<2048xf32, #tpu.memory_space<vmem>>, vector<16xf32>,
        %add3A_307 = arith.constant 32 : i32
        %add3A_308 = arith.addi %mul3A_291, %add3A_307 : i32
        %get3A_309 = arith.index_cast %add3A_308 : i32 to index
        %get3A_310 = tpu.vector_load %arg8[%get3A_309] {strides = array<i32>} : memref<2048xi32, #tpu.memory_space<vmem>>, vector<16xi32>,
        %gather3A_311 = tpu.vector_load_idx %arg6[%get3A_310] : memref<100000xf32, #tpu.memory_space<vmem>>[vector<16xi32>], vector<16xf32>,
        %add3A_312 = arith.constant 32 : i32
        %add3A_313 = arith.addi %mul3A_291, %add3A_312 : i32
        %swap3A_314 = arith.index_cast %add3A_313 : i32 to index
        %swap3A_315 = tpu.vector_load %arg10[%swap3A_314] {strides = array<i32>} : memref<2048xf32, #tpu.memory_space<vmem>>, vector<16xf32>,
        tpu.vector_store %arg10[%swap3A_314], %gather3A_311 {strides = array<i32>} : memref<2048xf32, #tpu.memory_space<vmem>>, vector<16xf32>,
        %add3A_316 = arith.constant 48 : i32
        %add3A_317 = arith.addi %mul3A_291, %add3A_316 : i32
        %get3A_318 = arith.index_cast %add3A_317 : i32 to index
        %get3A_319 = tpu.vector_load %arg8[%get3A_318] {strides = array<i32>} : memref<2048xi32, #tpu.memory_space<vmem>>, vector<16xi32>,
        %gather3A_320 = tpu.vector_load_idx %arg6[%get3A_319] : memref<100000xf32, #tpu.memory_space<vmem>>[vector<16xi32>], vector<16xf32>,
        %add3A_321 = arith.constant 48 : i32
        %add3A_322 = arith.addi %mul3A_291, %add3A_321 : i32
        %swap3A_323 = arith.index_cast %add3A_322 : i32 to index
        %swap3A_324 = tpu.vector_load %arg10[%swap3A_323] {strides = array<i32>} : memref<2048xf32, #tpu.memory_space<vmem>>, vector<16xf32>,
        tpu.vector_store %arg10[%swap3A_323], %gather3A_320 {strides = array<i32>} : memref<2048xf32, #tpu.memory_space<vmem>>, vector<16xf32>,
        %add3A_325 = arith.constant 64 : i32
        %add3A_326 = arith.addi %mul3A_291, %add3A_325 : i32
        %get3A_327 = arith.index_cast %add3A_326 : i32 to index
        %get3A_328 = tpu.vector_load %arg8[%get3A_327] {strides = array<i32>} : memref<2048xi32, #tpu.memory_space<vmem>>, vector<16xi32>,
        %gather3A_329 = tpu.vector_load_idx %arg6[%get3A_328] : memref<100000xf32, #tpu.memory_space<vmem>>[vector<16xi32>], vector<16xf32>,
        %add3A_330 = arith.constant 64 : i32
        %add3A_331 = arith.addi %mul3A_291, %add3A_330 : i32
        %swap3A_332 = arith.index_cast %add3A_331 : i32 to index
        %swap3A_333 = tpu.vector_load %arg10[%swap3A_332] {strides = array<i32>} : memref<2048xf32, #tpu.memory_space<vmem>>, vector<16xf32>,
        tpu.vector_store %arg10[%swap3A_332], %gather3A_329 {strides = array<i32>} : memref<2048xf32, #tpu.memory_space<vmem>>, vector<16xf32>,
        %add3A_334 = arith.constant 80 : i32
        %add3A_335 = arith.addi %mul3A_291, %add3A_334 : i32
        %get3A_336 = arith.index_cast %add3A_335 : i32 to index
        %get3A_337 = tpu.vector_load %arg8[%get3A_336] {strides = array<i32>} : memref<2048xi32, #tpu.memory_space<vmem>>, vector<16xi32>,
        %gather3A_338 = tpu.vector_load_idx %arg6[%get3A_337] : memref<100000xf32, #tpu.memory_space<vmem>>[vector<16xi32>], vector<16xf32>,
        %add3A_339 = arith.constant 80 : i32
        %add3A_340 = arith.addi %mul3A_291, %add3A_339 : i32
        %swap3A_341 = arith.index_cast %add3A_340 : i32 to index
        %swap3A_342 = tpu.vector_load %arg10[%swap3A_341] {strides = array<i32>} : memref<2048xf32, #tpu.memory_space<vmem>>, vector<16xf32>,
        tpu.vector_store %arg10[%swap3A_341], %gather3A_338 {strides = array<i32>} : memref<2048xf32, #tpu.memory_space<vmem>>, vector<16xf32>,
        %add3A_343 = arith.constant 96 : i32
        %add3A_344 = arith.addi %mul3A_291, %add3A_343 : i32
        %get3A_345 = arith.index_cast %add3A_344 : i32 to index
        %get3A_346 = tpu.vector_load %arg8[%get3A_345] {strides = array<i32>} : memref<2048xi32, #tpu.memory_space<vmem>>, vector<16xi32>,
        %gather3A_347 = tpu.vector_load_idx %arg6[%get3A_346] : memref<100000xf32, #tpu.memory_space<vmem>>[vector<16xi32>], vector<16xf32>,
        %add3A_348 = arith.constant 96 : i32
        %add3A_349 = arith.addi %mul3A_291, %add3A_348 : i32
        %swap3A_350 = arith.index_cast %add3A_349 : i32 to index
        %swap3A_351 = tpu.vector_load %arg10[%swap3A_350] {strides = array<i32>} : memref<2048xf32, #tpu.memory_space<vmem>>, vector<16xf32>,
        tpu.vector_store %arg10[%swap3A_350], %gather3A_347 {strides = array<i32>} : memref<2048xf32, #tpu.memory_space<vmem>>, vector<16xf32>,
        %add3A_352 = arith.constant 112 : i32
        %add3A_353 = arith.addi %mul3A_291, %add3A_352 : i32
        %get3A_354 = arith.index_cast %add3A_353 : i32 to index
        %get3A_355 = tpu.vector_load %arg8[%get3A_354] {strides = array<i32>} : memref<2048xi32, #tpu.memory_space<vmem>>, vector<16xi32>,
        %gather3A_356 = tpu.vector_load_idx %arg6[%get3A_355] : memref<100000xf32, #tpu.memory_space<vmem>>[vector<16xi32>], vector<16xf32>,
        %add3A_357 = arith.constant 112 : i32
        %add3A_358 = arith.addi %mul3A_291, %add3A_357 : i32
        %swap3A_359 = arith.index_cast %add3A_358 : i32 to index
        %swap3A_360 = tpu.vector_load %arg10[%swap3A_359] {strides = array<i32>} : memref<2048xf32, #tpu.memory_space<vmem>>, vector<16xf32>,
        tpu.vector_store %arg10[%swap3A_359], %gather3A_356 {strides = array<i32>} : memref<2048xf32, #tpu.memory_space<vmem>>, vector<16xf32>,
      }
      %scan3A_170 = arith.constant 16 : i32
      %dma_start3A_171 = arith.constant 6144 : i32
      %dma_start3A_172 = tpu.memref_slice %arg5[%add3A_9, %dma_start3A_171] : memref<416x16384xf32, #tpu.memory_space<hbm>> -> memref<1x2048xf32, #tpu.memory_space<hbm>>
      %dma_start3A_173 = tpu.memref_squeeze %dma_start3A_172 : memref<1x2048xf32, #tpu.memory_space<hbm>> -> memref<2048xf32, #tpu.memory_space<hbm>>
      %dma_start3A_174 = arith.constant 6144 : i32
      %dma_start3A_175 = tpu.memref_slice %arg5[%add3A_9, %dma_start3A_174] : memref<416x16384xf32, #tpu.memory_space<hbm>> -> memref<1x2048xf32, #tpu.memory_space<hbm>>
      %dma_start3A_176 = tpu.memref_squeeze %dma_start3A_175 : memref<1x2048xf32, #tpu.memory_space<hbm>> -> memref<2048xf32, #tpu.memory_space<hbm>>
      tpu.enqueue_dma source(%arg10 : memref<2048xf32, #tpu.memory_space<vmem>>) target(%dma_start3A_176 : memref<2048xf32, #tpu.memory_space<hbm>>) target_semaphore(%arg14 : memref<!tpu.dma_semaphore, #tpu.memory_space<semaphore_mem>>)
      %add3A_177 = arith.constant 10240 : i32
      %add3A_178 = arith.addi %mul3A_12, %add3A_177 : i32
      %dma_start3A_179 = tpu.memref_slice %arg3[%add3A_178] : memref<425984xi32, #tpu.memory_space<hbm>> -> memref<2048xi32, #tpu.memory_space<hbm>>
      %dma_start3A_180 = tpu.memref_slice %arg3[%add3A_178] : memref<425984xi32, #tpu.memory_space<hbm>> -> memref<2048xi32, #tpu.memory_space<hbm>>
      tpu.enqueue_dma source(%dma_start3A_180 : memref<2048xi32, #tpu.memory_space<hbm>>) target(%arg8 : memref<2048xi32, #tpu.memory_space<vmem>>) target_semaphore(%arg12 : memref<!tpu.dma_semaphore, #tpu.memory_space<semaphore_mem>>)
      %dma_wait3A_181 = arith.constant 4096 : i32
      %dma_wait3A_182 = tpu.memref_slice %arg5[%add3A_9, %dma_wait3A_181] : memref<416x16384xf32, #tpu.memory_space<hbm>> -> memref<1x2048xf32, #tpu.memory_space<hbm>>
      %dma_wait3A_183 = tpu.memref_squeeze %dma_wait3A_182 : memref<1x2048xf32, #tpu.memory_space<hbm>> -> memref<2048xf32, #tpu.memory_space<hbm>>
      %dma_wait3A_184 = arith.constant 4096 : i32
      %dma_wait3A_185 = tpu.memref_slice %arg5[%add3A_9, %dma_wait3A_184] : memref<416x16384xf32, #tpu.memory_space<hbm>> -> memref<1x2048xf32, #tpu.memory_space<hbm>>
      %dma_wait3A_186 = tpu.memref_squeeze %dma_wait3A_185 : memref<1x2048xf32, #tpu.memory_space<hbm>> -> memref<2048xf32, #tpu.memory_space<hbm>>
      tpu.wait_dma2 semaphore(%arg13 : memref<!tpu.dma_semaphore, #tpu.memory_space<semaphore_mem>>) src(%arg9 : memref<2048xf32, #tpu.memory_space<vmem>>) dst(%dma_wait3A_186 : memref<2048xf32, #tpu.memory_space<hbm>>)
      %add3A_187 = arith.constant 8192 : i32
      %add3A_188 = arith.addi %mul3A_12, %add3A_187 : i32
      %dma_wait3A_189 = tpu.memref_slice %arg3[%add3A_188] : memref<425984xi32, #tpu.memory_space<hbm>> -> memref<2048xi32, #tpu.memory_space<hbm>>
      %dma_wait3A_190 = tpu.memref_slice %arg3[%add3A_188] : memref<425984xi32, #tpu.memory_space<hbm>> -> memref<2048xi32, #tpu.memory_space<hbm>>
      tpu.wait_dma2 semaphore(%arg11 : memref<!tpu.dma_semaphore, #tpu.memory_space<semaphore_mem>>) src(%dma_wait3A_190 : memref<2048xi32, #tpu.memory_space<hbm>>) dst(%arg7 : memref<2048xi32, #tpu.memory_space<vmem>>)
      %scan3A_191 = arith.constant 0 : i32
      %scan3A_192 = arith.constant 0 : i32
      %scan3A_193 = arith.constant 16 : i32
      %scan3A_194 = arith.addi %scan3A_192, %scan3A_193 : i32
      %scan3A_195 = arith.constant 1 : i32
      scf.for %scan3A_289 = %scan3A_192 to %scan3A_194 step %scan3A_195  : i32 {
        %mul3A_290 = arith.constant 128 : i32
        %mul3A_291 = arith.muli %scan3A_289, %mul3A_290 : i32
        %add3A_292 = arith.constant 0 : i32
        %add3A_293 = arith.addi %mul3A_291, %add3A_292 : i32
        %get3A = arith.index_cast %add3A_293 : i32 to index
        %get3A_294 = tpu.vector_load %arg7[%get3A] {strides = array<i32>} : memref<2048xi32, #tpu.memory_space<vmem>>, vector<16xi32>,
        %gather3A = tpu.vector_load_idx %arg6[%get3A_294] : memref<100000xf32, #tpu.memory_space<vmem>>[vector<16xi32>], vector<16xf32>,
        %add3A_295 = arith.constant 0 : i32
        %add3A_296 = arith.addi %mul3A_291, %add3A_295 : i32
        %swap3A = arith.index_cast %add3A_296 : i32 to index
        %swap3A_297 = tpu.vector_load %arg9[%swap3A] {strides = array<i32>} : memref<2048xf32, #tpu.memory_space<vmem>>, vector<16xf32>,
        tpu.vector_store %arg9[%swap3A], %gather3A {strides = array<i32>} : memref<2048xf32, #tpu.memory_space<vmem>>, vector<16xf32>,
        %add3A_298 = arith.constant 16 : i32
        %add3A_299 = arith.addi %mul3A_291, %add3A_298 : i32
        %get3A_300 = arith.index_cast %add3A_299 : i32 to index
        %get3A_301 = tpu.vector_load %arg7[%get3A_300] {strides = array<i32>} : memref<2048xi32, #tpu.memory_space<vmem>>, vector<16xi32>,
        %gather3A_302 = tpu.vector_load_idx %arg6[%get3A_301] : memref<100000xf32, #tpu.memory_space<vmem>>[vector<16xi32>], vector<16xf32>,
        %add3A_303 = arith.constant 16 : i32
        %add3A_304 = arith.addi %mul3A_291, %add3A_303 : i32
        %swap3A_305 = arith.index_cast %add3A_304 : i32 to index
        %swap3A_306 = tpu.vector_load %arg9[%swap3A_305] {strides = array<i32>} : memref<2048xf32, #tpu.memory_space<vmem>>, vector<16xf32>,
        tpu.vector_store %arg9[%swap3A_305], %gather3A_302 {strides = array<i32>} : memref<2048xf32, #tpu.memory_space<vmem>>, vector<16xf32>,
        %add3A_307 = arith.constant 32 : i32
        %add3A_308 = arith.addi %mul3A_291, %add3A_307 : i32
        %get3A_309 = arith.index_cast %add3A_308 : i32 to index
        %get3A_310 = tpu.vector_load %arg7[%get3A_309] {strides = array<i32>} : memref<2048xi32, #tpu.memory_space<vmem>>, vector<16xi32>,
        %gather3A_311 = tpu.vector_load_idx %arg6[%get3A_310] : memref<100000xf32, #tpu.memory_space<vmem>>[vector<16xi32>], vector<16xf32>,
        %add3A_312 = arith.constant 32 : i32
        %add3A_313 = arith.addi %mul3A_291, %add3A_312 : i32
        %swap3A_314 = arith.index_cast %add3A_313 : i32 to index
        %swap3A_315 = tpu.vector_load %arg9[%swap3A_314] {strides = array<i32>} : memref<2048xf32, #tpu.memory_space<vmem>>, vector<16xf32>,
        tpu.vector_store %arg9[%swap3A_314], %gather3A_311 {strides = array<i32>} : memref<2048xf32, #tpu.memory_space<vmem>>, vector<16xf32>,
        %add3A_316 = arith.constant 48 : i32
        %add3A_317 = arith.addi %mul3A_291, %add3A_316 : i32
        %get3A_318 = arith.index_cast %add3A_317 : i32 to index
        %get3A_319 = tpu.vector_load %arg7[%get3A_318] {strides = array<i32>} : memref<2048xi32, #tpu.memory_space<vmem>>, vector<16xi32>,
        %gather3A_320 = tpu.vector_load_idx %arg6[%get3A_319] : memref<100000xf32, #tpu.memory_space<vmem>>[vector<16xi32>], vector<16xf32>,
        %add3A_321 = arith.constant 48 : i32
        %add3A_322 = arith.addi %mul3A_291, %add3A_321 : i32
        %swap3A_323 = arith.index_cast %add3A_322 : i32 to index
        %swap3A_324 = tpu.vector_load %arg9[%swap3A_323] {strides = array<i32>} : memref<2048xf32, #tpu.memory_space<vmem>>, vector<16xf32>,
        tpu.vector_store %arg9[%swap3A_323], %gather3A_320 {strides = array<i32>} : memref<2048xf32, #tpu.memory_space<vmem>>, vector<16xf32>,
        %add3A_325 = arith.constant 64 : i32
        %add3A_326 = arith.addi %mul3A_291, %add3A_325 : i32
        %get3A_327 = arith.index_cast %add3A_326 : i32 to index
        %get3A_328 = tpu.vector_load %arg7[%get3A_327] {strides = array<i32>} : memref<2048xi32, #tpu.memory_space<vmem>>, vector<16xi32>,
        %gather3A_329 = tpu.vector_load_idx %arg6[%get3A_328] : memref<100000xf32, #tpu.memory_space<vmem>>[vector<16xi32>], vector<16xf32>,
        %add3A_330 = arith.constant 64 : i32
        %add3A_331 = arith.addi %mul3A_291, %add3A_330 : i32
        %swap3A_332 = arith.index_cast %add3A_331 : i32 to index
        %swap3A_333 = tpu.vector_load %arg9[%swap3A_332] {strides = array<i32>} : memref<2048xf32, #tpu.memory_space<vmem>>, vector<16xf32>,
        tpu.vector_store %arg9[%swap3A_332], %gather3A_329 {strides = array<i32>} : memref<2048xf32, #tpu.memory_space<vmem>>, vector<16xf32>,
        %add3A_334 = arith.constant 80 : i32
        %add3A_335 = arith.addi %mul3A_291, %add3A_334 : i32
        %get3A_336 = arith.index_cast %add3A_335 : i32 to index
        %get3A_337 = tpu.vector_load %arg7[%get3A_336] {strides = array<i32>} : memref<2048xi32, #tpu.memory_space<vmem>>, vector<16xi32>,
        %gather3A_338 = tpu.vector_load_idx %arg6[%get3A_337] : memref<100000xf32, #tpu.memory_space<vmem>>[vector<16xi32>], vector<16xf32>,
        %add3A_339 = arith.constant 80 : i32
        %add3A_340 = arith.addi %mul3A_291, %add3A_339 : i32
        %swap3A_341 = arith.index_cast %add3A_340 : i32 to index
        %swap3A_342 = tpu.vector_load %arg9[%swap3A_341] {strides = array<i32>} : memref<2048xf32, #tpu.memory_space<vmem>>, vector<16xf32>,
        tpu.vector_store %arg9[%swap3A_341], %gather3A_338 {strides = array<i32>} : memref<2048xf32, #tpu.memory_space<vmem>>, vector<16xf32>,
        %add3A_343 = arith.constant 96 : i32
        %add3A_344 = arith.addi %mul3A_291, %add3A_343 : i32
        %get3A_345 = arith.index_cast %add3A_344 : i32 to index
        %get3A_346 = tpu.vector_load %arg7[%get3A_345] {strides = array<i32>} : memref<2048xi32, #tpu.memory_space<vmem>>, vector<16xi32>,
        %gather3A_347 = tpu.vector_load_idx %arg6[%get3A_346] : memref<100000xf32, #tpu.memory_space<vmem>>[vector<16xi32>], vector<16xf32>,
        %add3A_348 = arith.constant 96 : i32
        %add3A_349 = arith.addi %mul3A_291, %add3A_348 : i32
        %swap3A_350 = arith.index_cast %add3A_349 : i32 to index
        %swap3A_351 = tpu.vector_load %arg9[%swap3A_350] {strides = array<i32>} : memref<2048xf32, #tpu.memory_space<vmem>>, vector<16xf32>,
        tpu.vector_store %arg9[%swap3A_350], %gather3A_347 {strides = array<i32>} : memref<2048xf32, #tpu.memory_space<vmem>>, vector<16xf32>,
        %add3A_352 = arith.constant 112 : i32
        %add3A_353 = arith.addi %mul3A_291, %add3A_352 : i32
        %get3A_354 = arith.index_cast %add3A_353 : i32 to index
        %get3A_355 = tpu.vector_load %arg7[%get3A_354] {strides = array<i32>} : memref<2048xi32, #tpu.memory_space<vmem>>, vector<16xi32>,
        %gather3A_356 = tpu.vector_load_idx %arg6[%get3A_355] : memref<100000xf32, #tpu.memory_space<vmem>>[vector<16xi32>], vector<16xf32>,
        %add3A_357 = arith.constant 112 : i32
        %add3A_358 = arith.addi %mul3A_291, %add3A_357 : i32
        %swap3A_359 = arith.index_cast %add3A_358 : i32 to index
        %swap3A_360 = tpu.vector_load %arg9[%swap3A_359] {strides = array<i32>} : memref<2048xf32, #tpu.memory_space<vmem>>, vector<16xf32>,
        tpu.vector_store %arg9[%swap3A_359], %gather3A_356 {strides = array<i32>} : memref<2048xf32, #tpu.memory_space<vmem>>, vector<16xf32>,
      }
      %scan3A_196 = arith.constant 16 : i32
      %dma_start3A_197 = arith.constant 8192 : i32
      %dma_start3A_198 = tpu.memref_slice %arg5[%add3A_9, %dma_start3A_197] : memref<416x16384xf32, #tpu.memory_space<hbm>> -> memref<1x2048xf32, #tpu.memory_space<hbm>>
      %dma_start3A_199 = tpu.memref_squeeze %dma_start3A_198 : memref<1x2048xf32, #tpu.memory_space<hbm>> -> memref<2048xf32, #tpu.memory_space<hbm>>
      %dma_start3A_200 = arith.constant 8192 : i32
      %dma_start3A_201 = tpu.memref_slice %arg5[%add3A_9, %dma_start3A_200] : memref<416x16384xf32, #tpu.memory_space<hbm>> -> memref<1x2048xf32, #tpu.memory_space<hbm>>
      %dma_start3A_202 = tpu.memref_squeeze %dma_start3A_201 : memref<1x2048xf32, #tpu.memory_space<hbm>> -> memref<2048xf32, #tpu.memory_space<hbm>>
      tpu.enqueue_dma source(%arg9 : memref<2048xf32, #tpu.memory_space<vmem>>) target(%dma_start3A_202 : memref<2048xf32, #tpu.memory_space<hbm>>) target_semaphore(%arg13 : memref<!tpu.dma_semaphore, #tpu.memory_space<semaphore_mem>>)
      %add3A_203 = arith.constant 12288 : i32
      %add3A_204 = arith.addi %mul3A_12, %add3A_203 : i32
      %dma_start3A_205 = tpu.memref_slice %arg3[%add3A_204] : memref<425984xi32, #tpu.memory_space<hbm>> -> memref<2048xi32, #tpu.memory_space<hbm>>
      %dma_start3A_206 = tpu.memref_slice %arg3[%add3A_204] : memref<425984xi32, #tpu.memory_space<hbm>> -> memref<2048xi32, #tpu.memory_space<hbm>>
      tpu.enqueue_dma source(%dma_start3A_206 : memref<2048xi32, #tpu.memory_space<hbm>>) target(%arg7 : memref<2048xi32, #tpu.memory_space<vmem>>) target_semaphore(%arg11 : memref<!tpu.dma_semaphore, #tpu.memory_space<semaphore_mem>>)
      %dma_wait3A_207 = arith.constant 6144 : i32
      %dma_wait3A_208 = tpu.memref_slice %arg5[%add3A_9, %dma_wait3A_207] : memref<416x16384xf32, #tpu.memory_space<hbm>> -> memref<1x2048xf32, #tpu.memory_space<hbm>>
      %dma_wait3A_209 = tpu.memref_squeeze %dma_wait3A_208 : memref<1x2048xf32, #tpu.memory_space<hbm>> -> memref<2048xf32, #tpu.memory_space<hbm>>
      %dma_wait3A_210 = arith.constant 6144 : i32
      %dma_wait3A_211 = tpu.memref_slice %arg5[%add3A_9, %dma_wait3A_210] : memref<416x16384xf32, #tpu.memory_space<hbm>> -> memref<1x2048xf32, #tpu.memory_space<hbm>>
      %dma_wait3A_212 = tpu.memref_squeeze %dma_wait3A_211 : memref<1x2048xf32, #tpu.memory_space<hbm>> -> memref<2048xf32, #tpu.memory_space<hbm>>
      tpu.wait_dma2 semaphore(%arg14 : memref<!tpu.dma_semaphore, #tpu.memory_space<semaphore_mem>>) src(%arg10 : memref<2048xf32, #tpu.memory_space<vmem>>) dst(%dma_wait3A_212 : memref<2048xf32, #tpu.memory_space<hbm>>)
      %add3A_213 = arith.constant 10240 : i32
      %add3A_214 = arith.addi %mul3A_12, %add3A_213 : i32
      %dma_wait3A_215 = tpu.memref_slice %arg3[%add3A_214] : memref<425984xi32, #tpu.memory_space<hbm>> -> memref<2048xi32, #tpu.memory_space<hbm>>
      %dma_wait3A_216 = tpu.memref_slice %arg3[%add3A_214] : memref<425984xi32, #tpu.memory_space<hbm>> -> memref<2048xi32, #tpu.memory_space<hbm>>
      tpu.wait_dma2 semaphore(%arg12 : memref<!tpu.dma_semaphore, #tpu.memory_space<semaphore_mem>>) src(%dma_wait3A_216 : memref<2048xi32, #tpu.memory_space<hbm>>) dst(%arg8 : memref<2048xi32, #tpu.memory_space<vmem>>)
      %scan3A_217 = arith.constant 0 : i32
      %scan3A_218 = arith.constant 0 : i32
      %scan3A_219 = arith.constant 16 : i32
      %scan3A_220 = arith.addi %scan3A_218, %scan3A_219 : i32
      %scan3A_221 = arith.constant 1 : i32
      scf.for %scan3A_289 = %scan3A_218 to %scan3A_220 step %scan3A_221  : i32 {
        %mul3A_290 = arith.constant 128 : i32
        %mul3A_291 = arith.muli %scan3A_289, %mul3A_290 : i32
        %add3A_292 = arith.constant 0 : i32
        %add3A_293 = arith.addi %mul3A_291, %add3A_292 : i32
        %get3A = arith.index_cast %add3A_293 : i32 to index
        %get3A_294 = tpu.vector_load %arg8[%get3A] {strides = array<i32>} : memref<2048xi32, #tpu.memory_space<vmem>>, vector<16xi32>,
        %gather3A = tpu.vector_load_idx %arg6[%get3A_294] : memref<100000xf32, #tpu.memory_space<vmem>>[vector<16xi32>], vector<16xf32>,
        %add3A_295 = arith.constant 0 : i32
        %add3A_296 = arith.addi %mul3A_291, %add3A_295 : i32
        %swap3A = arith.index_cast %add3A_296 : i32 to index
        %swap3A_297 = tpu.vector_load %arg10[%swap3A] {strides = array<i32>} : memref<2048xf32, #tpu.memory_space<vmem>>, vector<16xf32>,
        tpu.vector_store %arg10[%swap3A], %gather3A {strides = array<i32>} : memref<2048xf32, #tpu.memory_space<vmem>>, vector<16xf32>,
        %add3A_298 = arith.constant 16 : i32
        %add3A_299 = arith.addi %mul3A_291, %add3A_298 : i32
        %get3A_300 = arith.index_cast %add3A_299 : i32 to index
        %get3A_301 = tpu.vector_load %arg8[%get3A_300] {strides = array<i32>} : memref<2048xi32, #tpu.memory_space<vmem>>, vector<16xi32>,
        %gather3A_302 = tpu.vector_load_idx %arg6[%get3A_301] : memref<100000xf32, #tpu.memory_space<vmem>>[vector<16xi32>], vector<16xf32>,
        %add3A_303 = arith.constant 16 : i32
        %add3A_304 = arith.addi %mul3A_291, %add3A_303 : i32
        %swap3A_305 = arith.index_cast %add3A_304 : i32 to index
        %swap3A_306 = tpu.vector_load %arg10[%swap3A_305] {strides = array<i32>} : memref<2048xf32, #tpu.memory_space<vmem>>, vector<16xf32>,
        tpu.vector_store %arg10[%swap3A_305], %gather3A_302 {strides = array<i32>} : memref<2048xf32, #tpu.memory_space<vmem>>, vector<16xf32>,
        %add3A_307 = arith.constant 32 : i32
        %add3A_308 = arith.addi %mul3A_291, %add3A_307 : i32
        %get3A_309 = arith.index_cast %add3A_308 : i32 to index
        %get3A_310 = tpu.vector_load %arg8[%get3A_309] {strides = array<i32>} : memref<2048xi32, #tpu.memory_space<vmem>>, vector<16xi32>,
        %gather3A_311 = tpu.vector_load_idx %arg6[%get3A_310] : memref<100000xf32, #tpu.memory_space<vmem>>[vector<16xi32>], vector<16xf32>,
        %add3A_312 = arith.constant 32 : i32
        %add3A_313 = arith.addi %mul3A_291, %add3A_312 : i32
        %swap3A_314 = arith.index_cast %add3A_313 : i32 to index
        %swap3A_315 = tpu.vector_load %arg10[%swap3A_314] {strides = array<i32>} : memref<2048xf32, #tpu.memory_space<vmem>>, vector<16xf32>,
        tpu.vector_store %arg10[%swap3A_314], %gather3A_311 {strides = array<i32>} : memref<2048xf32, #tpu.memory_space<vmem>>, vector<16xf32>,
        %add3A_316 = arith.constant 48 : i32
        %add3A_317 = arith.addi %mul3A_291, %add3A_316 : i32
        %get3A_318 = arith.index_cast %add3A_317 : i32 to index
        %get3A_319 = tpu.vector_load %arg8[%get3A_318] {strides = array<i32>} : memref<2048xi32, #tpu.memory_space<vmem>>, vector<16xi32>,
        %gather3A_320 = tpu.vector_load_idx %arg6[%get3A_319] : memref<100000xf32, #tpu.memory_space<vmem>>[vector<16xi32>], vector<16xf32>,
        %add3A_321 = arith.constant 48 : i32
        %add3A_322 = arith.addi %mul3A_291, %add3A_321 : i32
        %swap3A_323 = arith.index_cast %add3A_322 : i32 to index
        %swap3A_324 = tpu.vector_load %arg10[%swap3A_323] {strides = array<i32>} : memref<2048xf32, #tpu.memory_space<vmem>>, vector<16xf32>,
        tpu.vector_store %arg10[%swap3A_323], %gather3A_320 {strides = array<i32>} : memref<2048xf32, #tpu.memory_space<vmem>>, vector<16xf32>,
        %add3A_325 = arith.constant 64 : i32
        %add3A_326 = arith.addi %mul3A_291, %add3A_325 : i32
        %get3A_327 = arith.index_cast %add3A_326 : i32 to index
        %get3A_328 = tpu.vector_load %arg8[%get3A_327] {strides = array<i32>} : memref<2048xi32, #tpu.memory_space<vmem>>, vector<16xi32>,
        %gather3A_329 = tpu.vector_load_idx %arg6[%get3A_328] : memref<100000xf32, #tpu.memory_space<vmem>>[vector<16xi32>], vector<16xf32>,
        %add3A_330 = arith.constant 64 : i32
        %add3A_331 = arith.addi %mul3A_291, %add3A_330 : i32
        %swap3A_332 = arith.index_cast %add3A_331 : i32 to index
        %swap3A_333 = tpu.vector_load %arg10[%swap3A_332] {strides = array<i32>} : memref<2048xf32, #tpu.memory_space<vmem>>, vector<16xf32>,
        tpu.vector_store %arg10[%swap3A_332], %gather3A_329 {strides = array<i32>} : memref<2048xf32, #tpu.memory_space<vmem>>, vector<16xf32>,
        %add3A_334 = arith.constant 80 : i32
        %add3A_335 = arith.addi %mul3A_291, %add3A_334 : i32
        %get3A_336 = arith.index_cast %add3A_335 : i32 to index
        %get3A_337 = tpu.vector_load %arg8[%get3A_336] {strides = array<i32>} : memref<2048xi32, #tpu.memory_space<vmem>>, vector<16xi32>,
        %gather3A_338 = tpu.vector_load_idx %arg6[%get3A_337] : memref<100000xf32, #tpu.memory_space<vmem>>[vector<16xi32>], vector<16xf32>,
        %add3A_339 = arith.constant 80 : i32
        %add3A_340 = arith.addi %mul3A_291, %add3A_339 : i32
        %swap3A_341 = arith.index_cast %add3A_340 : i32 to index
        %swap3A_342 = tpu.vector_load %arg10[%swap3A_341] {strides = array<i32>} : memref<2048xf32, #tpu.memory_space<vmem>>, vector<16xf32>,
        tpu.vector_store %arg10[%swap3A_341], %gather3A_338 {strides = array<i32>} : memref<2048xf32, #tpu.memory_space<vmem>>, vector<16xf32>,
        %add3A_343 = arith.constant 96 : i32
        %add3A_344 = arith.addi %mul3A_291, %add3A_343 : i32
        %get3A_345 = arith.index_cast %add3A_344 : i32 to index
        %get3A_346 = tpu.vector_load %arg8[%get3A_345] {strides = array<i32>} : memref<2048xi32, #tpu.memory_space<vmem>>, vector<16xi32>,
        %gather3A_347 = tpu.vector_load_idx %arg6[%get3A_346] : memref<100000xf32, #tpu.memory_space<vmem>>[vector<16xi32>], vector<16xf32>,
        %add3A_348 = arith.constant 96 : i32
        %add3A_349 = arith.addi %mul3A_291, %add3A_348 : i32
        %swap3A_350 = arith.index_cast %add3A_349 : i32 to index
        %swap3A_351 = tpu.vector_load %arg10[%swap3A_350] {strides = array<i32>} : memref<2048xf32, #tpu.memory_space<vmem>>, vector<16xf32>,
        tpu.vector_store %arg10[%swap3A_350], %gather3A_347 {strides = array<i32>} : memref<2048xf32, #tpu.memory_space<vmem>>, vector<16xf32>,
        %add3A_352 = arith.constant 112 : i32
        %add3A_353 = arith.addi %mul3A_291, %add3A_352 : i32
        %get3A_354 = arith.index_cast %add3A_353 : i32 to index
        %get3A_355 = tpu.vector_load %arg8[%get3A_354] {strides = array<i32>} : memref<2048xi32, #tpu.memory_space<vmem>>, vector<16xi32>,
        %gather3A_356 = tpu.vector_load_idx %arg6[%get3A_355] : memref<100000xf32, #tpu.memory_space<vmem>>[vector<16xi32>], vector<16xf32>,
        %add3A_357 = arith.constant 112 : i32
        %add3A_358 = arith.addi %mul3A_291, %add3A_357 : i32
        %swap3A_359 = arith.index_cast %add3A_358 : i32 to index
        %swap3A_360 = tpu.vector_load %arg10[%swap3A_359] {strides = array<i32>} : memref<2048xf32, #tpu.memory_space<vmem>>, vector<16xf32>,
        tpu.vector_store %arg10[%swap3A_359], %gather3A_356 {strides = array<i32>} : memref<2048xf32, #tpu.memory_space<vmem>>, vector<16xf32>,
      }
      %scan3A_222 = arith.constant 16 : i32
      %dma_start3A_223 = arith.constant 10240 : i32
      %dma_start3A_224 = tpu.memref_slice %arg5[%add3A_9, %dma_start3A_223] : memref<416x16384xf32, #tpu.memory_space<hbm>> -> memref<1x2048xf32, #tpu.memory_space<hbm>>
      %dma_start3A_225 = tpu.memref_squeeze %dma_start3A_224 : memref<1x2048xf32, #tpu.memory_space<hbm>> -> memref<2048xf32, #tpu.memory_space<hbm>>
      %dma_start3A_226 = arith.constant 10240 : i32
      %dma_start3A_227 = tpu.memref_slice %arg5[%add3A_9, %dma_start3A_226] : memref<416x16384xf32, #tpu.memory_space<hbm>> -> memref<1x2048xf32, #tpu.memory_space<hbm>>
      %dma_start3A_228 = tpu.memref_squeeze %dma_start3A_227 : memref<1x2048xf32, #tpu.memory_space<hbm>> -> memref<2048xf32, #tpu.memory_space<hbm>>
      tpu.enqueue_dma source(%arg10 : memref<2048xf32, #tpu.memory_space<vmem>>) target(%dma_start3A_228 : memref<2048xf32, #tpu.memory_space<hbm>>) target_semaphore(%arg14 : memref<!tpu.dma_semaphore, #tpu.memory_space<semaphore_mem>>)
      %add3A_229 = arith.constant 14336 : i32
      %add3A_230 = arith.addi %mul3A_12, %add3A_229 : i32
      %dma_start3A_231 = tpu.memref_slice %arg3[%add3A_230] : memref<425984xi32, #tpu.memory_space<hbm>> -> memref<2048xi32, #tpu.memory_space<hbm>>
      %dma_start3A_232 = tpu.memref_slice %arg3[%add3A_230] : memref<425984xi32, #tpu.memory_space<hbm>> -> memref<2048xi32, #tpu.memory_space<hbm>>
      tpu.enqueue_dma source(%dma_start3A_232 : memref<2048xi32, #tpu.memory_space<hbm>>) target(%arg8 : memref<2048xi32, #tpu.memory_space<vmem>>) target_semaphore(%arg12 : memref<!tpu.dma_semaphore, #tpu.memory_space<semaphore_mem>>)
      %dma_wait3A_233 = arith.constant 8192 : i32
      %dma_wait3A_234 = tpu.memref_slice %arg5[%add3A_9, %dma_wait3A_233] : memref<416x16384xf32, #tpu.memory_space<hbm>> -> memref<1x2048xf32, #tpu.memory_space<hbm>>
      %dma_wait3A_235 = tpu.memref_squeeze %dma_wait3A_234 : memref<1x2048xf32, #tpu.memory_space<hbm>> -> memref<2048xf32, #tpu.memory_space<hbm>>
      %dma_wait3A_236 = arith.constant 8192 : i32
      %dma_wait3A_237 = tpu.memref_slice %arg5[%add3A_9, %dma_wait3A_236] : memref<416x16384xf32, #tpu.memory_space<hbm>> -> memref<1x2048xf32, #tpu.memory_space<hbm>>
      %dma_wait3A_238 = tpu.memref_squeeze %dma_wait3A_237 : memref<1x2048xf32, #tpu.memory_space<hbm>> -> memref<2048xf32, #tpu.memory_space<hbm>>
      tpu.wait_dma2 semaphore(%arg13 : memref<!tpu.dma_semaphore, #tpu.memory_space<semaphore_mem>>) src(%arg9 : memref<2048xf32, #tpu.memory_space<vmem>>) dst(%dma_wait3A_238 : memref<2048xf32, #tpu.memory_space<hbm>>)
      %add3A_239 = arith.constant 12288 : i32
      %add3A_240 = arith.addi %mul3A_12, %add3A_239 : i32
      %dma_wait3A_241 = tpu.memref_slice %arg3[%add3A_240] : memref<425984xi32, #tpu.memory_space<hbm>> -> memref<2048xi32, #tpu.memory_space<hbm>>
      %dma_wait3A_242 = tpu.memref_slice %arg3[%add3A_240] : memref<425984xi32, #tpu.memory_space<hbm>> -> memref<2048xi32, #tpu.memory_space<hbm>>
      tpu.wait_dma2 semaphore(%arg11 : memref<!tpu.dma_semaphore, #tpu.memory_space<semaphore_mem>>) src(%dma_wait3A_242 : memref<2048xi32, #tpu.memory_space<hbm>>) dst(%arg7 : memref<2048xi32, #tpu.memory_space<vmem>>)
      %scan3A_243 = arith.constant 0 : i32
      %scan3A_244 = arith.constant 0 : i32
      %scan3A_245 = arith.constant 16 : i32
      %scan3A_246 = arith.addi %scan3A_244, %scan3A_245 : i32
      %scan3A_247 = arith.constant 1 : i32
      scf.for %scan3A_289 = %scan3A_244 to %scan3A_246 step %scan3A_247  : i32 {
        %mul3A_290 = arith.constant 128 : i32
        %mul3A_291 = arith.muli %scan3A_289, %mul3A_290 : i32
        %add3A_292 = arith.constant 0 : i32
        %add3A_293 = arith.addi %mul3A_291, %add3A_292 : i32
        %get3A = arith.index_cast %add3A_293 : i32 to index
        %get3A_294 = tpu.vector_load %arg7[%get3A] {strides = array<i32>} : memref<2048xi32, #tpu.memory_space<vmem>>, vector<16xi32>,
        %gather3A = tpu.vector_load_idx %arg6[%get3A_294] : memref<100000xf32, #tpu.memory_space<vmem>>[vector<16xi32>], vector<16xf32>,
        %add3A_295 = arith.constant 0 : i32
        %add3A_296 = arith.addi %mul3A_291, %add3A_295 : i32
        %swap3A = arith.index_cast %add3A_296 : i32 to index
        %swap3A_297 = tpu.vector_load %arg9[%swap3A] {strides = array<i32>} : memref<2048xf32, #tpu.memory_space<vmem>>, vector<16xf32>,
        tpu.vector_store %arg9[%swap3A], %gather3A {strides = array<i32>} : memref<2048xf32, #tpu.memory_space<vmem>>, vector<16xf32>,
        %add3A_298 = arith.constant 16 : i32
        %add3A_299 = arith.addi %mul3A_291, %add3A_298 : i32
        %get3A_300 = arith.index_cast %add3A_299 : i32 to index
        %get3A_301 = tpu.vector_load %arg7[%get3A_300] {strides = array<i32>} : memref<2048xi32, #tpu.memory_space<vmem>>, vector<16xi32>,
        %gather3A_302 = tpu.vector_load_idx %arg6[%get3A_301] : memref<100000xf32, #tpu.memory_space<vmem>>[vector<16xi32>], vector<16xf32>,
        %add3A_303 = arith.constant 16 : i32
        %add3A_304 = arith.addi %mul3A_291, %add3A_303 : i32
        %swap3A_305 = arith.index_cast %add3A_304 : i32 to index
        %swap3A_306 = tpu.vector_load %arg9[%swap3A_305] {strides = array<i32>} : memref<2048xf32, #tpu.memory_space<vmem>>, vector<16xf32>,
        tpu.vector_store %arg9[%swap3A_305], %gather3A_302 {strides = array<i32>} : memref<2048xf32, #tpu.memory_space<vmem>>, vector<16xf32>,
        %add3A_307 = arith.constant 32 : i32
        %add3A_308 = arith.addi %mul3A_291, %add3A_307 : i32
        %get3A_309 = arith.index_cast %add3A_308 : i32 to index
        %get3A_310 = tpu.vector_load %arg7[%get3A_309] {strides = array<i32>} : memref<2048xi32, #tpu.memory_space<vmem>>, vector<16xi32>,
        %gather3A_311 = tpu.vector_load_idx %arg6[%get3A_310] : memref<100000xf32, #tpu.memory_space<vmem>>[vector<16xi32>], vector<16xf32>,
        %add3A_312 = arith.constant 32 : i32
        %add3A_313 = arith.addi %mul3A_291, %add3A_312 : i32
        %swap3A_314 = arith.index_cast %add3A_313 : i32 to index
        %swap3A_315 = tpu.vector_load %arg9[%swap3A_314] {strides = array<i32>} : memref<2048xf32, #tpu.memory_space<vmem>>, vector<16xf32>,
        tpu.vector_store %arg9[%swap3A_314], %gather3A_311 {strides = array<i32>} : memref<2048xf32, #tpu.memory_space<vmem>>, vector<16xf32>,
        %add3A_316 = arith.constant 48 : i32
        %add3A_317 = arith.addi %mul3A_291, %add3A_316 : i32
        %get3A_318 = arith.index_cast %add3A_317 : i32 to index
        %get3A_319 = tpu.vector_load %arg7[%get3A_318] {strides = array<i32>} : memref<2048xi32, #tpu.memory_space<vmem>>, vector<16xi32>,
        %gather3A_320 = tpu.vector_load_idx %arg6[%get3A_319] : memref<100000xf32, #tpu.memory_space<vmem>>[vector<16xi32>], vector<16xf32>,
        %add3A_321 = arith.constant 48 : i32
        %add3A_322 = arith.addi %mul3A_291, %add3A_321 : i32
        %swap3A_323 = arith.index_cast %add3A_322 : i32 to index
        %swap3A_324 = tpu.vector_load %arg9[%swap3A_323] {strides = array<i32>} : memref<2048xf32, #tpu.memory_space<vmem>>, vector<16xf32>,
        tpu.vector_store %arg9[%swap3A_323], %gather3A_320 {strides = array<i32>} : memref<2048xf32, #tpu.memory_space<vmem>>, vector<16xf32>,
        %add3A_325 = arith.constant 64 : i32
        %add3A_326 = arith.addi %mul3A_291, %add3A_325 : i32
        %get3A_327 = arith.index_cast %add3A_326 : i32 to index
        %get3A_328 = tpu.vector_load %arg7[%get3A_327] {strides = array<i32>} : memref<2048xi32, #tpu.memory_space<vmem>>, vector<16xi32>,
        %gather3A_329 = tpu.vector_load_idx %arg6[%get3A_328] : memref<100000xf32, #tpu.memory_space<vmem>>[vector<16xi32>], vector<16xf32>,
        %add3A_330 = arith.constant 64 : i32
        %add3A_331 = arith.addi %mul3A_291, %add3A_330 : i32
        %swap3A_332 = arith.index_cast %add3A_331 : i32 to index
        %swap3A_333 = tpu.vector_load %arg9[%swap3A_332] {strides = array<i32>} : memref<2048xf32, #tpu.memory_space<vmem>>, vector<16xf32>,
        tpu.vector_store %arg9[%swap3A_332], %gather3A_329 {strides = array<i32>} : memref<2048xf32, #tpu.memory_space<vmem>>, vector<16xf32>,
        %add3A_334 = arith.constant 80 : i32
        %add3A_335 = arith.addi %mul3A_291, %add3A_334 : i32
        %get3A_336 = arith.index_cast %add3A_335 : i32 to index
        %get3A_337 = tpu.vector_load %arg7[%get3A_336] {strides = array<i32>} : memref<2048xi32, #tpu.memory_space<vmem>>, vector<16xi32>,
        %gather3A_338 = tpu.vector_load_idx %arg6[%get3A_337] : memref<100000xf32, #tpu.memory_space<vmem>>[vector<16xi32>], vector<16xf32>,
        %add3A_339 = arith.constant 80 : i32
        %add3A_340 = arith.addi %mul3A_291, %add3A_339 : i32
        %swap3A_341 = arith.index_cast %add3A_340 : i32 to index
        %swap3A_342 = tpu.vector_load %arg9[%swap3A_341] {strides = array<i32>} : memref<2048xf32, #tpu.memory_space<vmem>>, vector<16xf32>,
        tpu.vector_store %arg9[%swap3A_341], %gather3A_338 {strides = array<i32>} : memref<2048xf32, #tpu.memory_space<vmem>>, vector<16xf32>,
        %add3A_343 = arith.constant 96 : i32
        %add3A_344 = arith.addi %mul3A_291, %add3A_343 : i32
        %get3A_345 = arith.index_cast %add3A_344 : i32 to index
        %get3A_346 = tpu.vector_load %arg7[%get3A_345] {strides = array<i32>} : memref<2048xi32, #tpu.memory_space<vmem>>, vector<16xi32>,
        %gather3A_347 = tpu.vector_load_idx %arg6[%get3A_346] : memref<100000xf32, #tpu.memory_space<vmem>>[vector<16xi32>], vector<16xf32>,
        %add3A_348 = arith.constant 96 : i32
        %add3A_349 = arith.addi %mul3A_291, %add3A_348 : i32
        %swap3A_350 = arith.index_cast %add3A_349 : i32 to index
        %swap3A_351 = tpu.vector_load %arg9[%swap3A_350] {strides = array<i32>} : memref<2048xf32, #tpu.memory_space<vmem>>, vector<16xf32>,
        tpu.vector_store %arg9[%swap3A_350], %gather3A_347 {strides = array<i32>} : memref<2048xf32, #tpu.memory_space<vmem>>, vector<16xf32>,
        %add3A_352 = arith.constant 112 : i32
        %add3A_353 = arith.addi %mul3A_291, %add3A_352 : i32
        %get3A_354 = arith.index_cast %add3A_353 : i32 to index
        %get3A_355 = tpu.vector_load %arg7[%get3A_354] {strides = array<i32>} : memref<2048xi32, #tpu.memory_space<vmem>>, vector<16xi32>,
        %gather3A_356 = tpu.vector_load_idx %arg6[%get3A_355] : memref<100000xf32, #tpu.memory_space<vmem>>[vector<16xi32>], vector<16xf32>,
        %add3A_357 = arith.constant 112 : i32
        %add3A_358 = arith.addi %mul3A_291, %add3A_357 : i32
        %swap3A_359 = arith.index_cast %add3A_358 : i32 to index
        %swap3A_360 = tpu.vector_load %arg9[%swap3A_359] {strides = array<i32>} : memref<2048xf32, #tpu.memory_space<vmem>>, vector<16xf32>,
        tpu.vector_store %arg9[%swap3A_359], %gather3A_356 {strides = array<i32>} : memref<2048xf32, #tpu.memory_space<vmem>>, vector<16xf32>,
      }
      %scan3A_248 = arith.constant 16 : i32
      %dma_start3A_249 = arith.constant 12288 : i32
      %dma_start3A_250 = tpu.memref_slice %arg5[%add3A_9, %dma_start3A_249] : memref<416x16384xf32, #tpu.memory_space<hbm>> -> memref<1x2048xf32, #tpu.memory_space<hbm>>
      %dma_start3A_251 = tpu.memref_squeeze %dma_start3A_250 : memref<1x2048xf32, #tpu.memory_space<hbm>> -> memref<2048xf32, #tpu.memory_space<hbm>>
      %dma_start3A_252 = arith.constant 12288 : i32
      %dma_start3A_253 = tpu.memref_slice %arg5[%add3A_9, %dma_start3A_252] : memref<416x16384xf32, #tpu.memory_space<hbm>> -> memref<1x2048xf32, #tpu.memory_space<hbm>>
      %dma_start3A_254 = tpu.memref_squeeze %dma_start3A_253 : memref<1x2048xf32, #tpu.memory_space<hbm>> -> memref<2048xf32, #tpu.memory_space<hbm>>
      tpu.enqueue_dma source(%arg9 : memref<2048xf32, #tpu.memory_space<vmem>>) target(%dma_start3A_254 : memref<2048xf32, #tpu.memory_space<hbm>>) target_semaphore(%arg13 : memref<!tpu.dma_semaphore, #tpu.memory_space<semaphore_mem>>)
      %dma_wait3A_255 = arith.constant 10240 : i32
      %dma_wait3A_256 = tpu.memref_slice %arg5[%add3A_9, %dma_wait3A_255] : memref<416x16384xf32, #tpu.memory_space<hbm>> -> memref<1x2048xf32, #tpu.memory_space<hbm>>
      %dma_wait3A_257 = tpu.memref_squeeze %dma_wait3A_256 : memref<1x2048xf32, #tpu.memory_space<hbm>> -> memref<2048xf32, #tpu.memory_space<hbm>>
      %dma_wait3A_258 = arith.constant 10240 : i32
      %dma_wait3A_259 = tpu.memref_slice %arg5[%add3A_9, %dma_wait3A_258] : memref<416x16384xf32, #tpu.memory_space<hbm>> -> memref<1x2048xf32, #tpu.memory_space<hbm>>
      %dma_wait3A_260 = tpu.memref_squeeze %dma_wait3A_259 : memref<1x2048xf32, #tpu.memory_space<hbm>> -> memref<2048xf32, #tpu.memory_space<hbm>>
      tpu.wait_dma2 semaphore(%arg14 : memref<!tpu.dma_semaphore, #tpu.memory_space<semaphore_mem>>) src(%arg10 : memref<2048xf32, #tpu.memory_space<vmem>>) dst(%dma_wait3A_260 : memref<2048xf32, #tpu.memory_space<hbm>>)
      %add3A_261 = arith.constant 14336 : i32
      %add3A_262 = arith.addi %mul3A_12, %add3A_261 : i32
      %dma_wait3A_263 = tpu.memref_slice %arg3[%add3A_262] : memref<425984xi32, #tpu.memory_space<hbm>> -> memref<2048xi32, #tpu.memory_space<hbm>>
      %dma_wait3A_264 = tpu.memref_slice %arg3[%add3A_262] : memref<425984xi32, #tpu.memory_space<hbm>> -> memref<2048xi32, #tpu.memory_space<hbm>>
      tpu.wait_dma2 semaphore(%arg12 : memref<!tpu.dma_semaphore, #tpu.memory_space<semaphore_mem>>) src(%dma_wait3A_264 : memref<2048xi32, #tpu.memory_space<hbm>>) dst(%arg8 : memref<2048xi32, #tpu.memory_space<vmem>>)
      %scan3A_265 = arith.constant 0 : i32
      %scan3A_266 = arith.constant 0 : i32
      %scan3A_267 = arith.constant 16 : i32
      %scan3A_268 = arith.addi %scan3A_266, %scan3A_267 : i32
      %scan3A_269 = arith.constant 1 : i32
      scf.for %scan3A_289 = %scan3A_266 to %scan3A_268 step %scan3A_269  : i32 {
        %mul3A_290 = arith.constant 128 : i32
        %mul3A_291 = arith.muli %scan3A_289, %mul3A_290 : i32
        %add3A_292 = arith.constant 0 : i32
        %add3A_293 = arith.addi %mul3A_291, %add3A_292 : i32
        %get3A = arith.index_cast %add3A_293 : i32 to index
        %get3A_294 = tpu.vector_load %arg8[%get3A] {strides = array<i32>} : memref<2048xi32, #tpu.memory_space<vmem>>, vector<16xi32>,
        %gather3A = tpu.vector_load_idx %arg6[%get3A_294] : memref<100000xf32, #tpu.memory_space<vmem>>[vector<16xi32>], vector<16xf32>,
        %add3A_295 = arith.constant 0 : i32
        %add3A_296 = arith.addi %mul3A_291, %add3A_295 : i32
        %swap3A = arith.index_cast %add3A_296 : i32 to index
        %swap3A_297 = tpu.vector_load %arg10[%swap3A] {strides = array<i32>} : memref<2048xf32, #tpu.memory_space<vmem>>, vector<16xf32>,
        tpu.vector_store %arg10[%swap3A], %gather3A {strides = array<i32>} : memref<2048xf32, #tpu.memory_space<vmem>>, vector<16xf32>,
        %add3A_298 = arith.constant 16 : i32
        %add3A_299 = arith.addi %mul3A_291, %add3A_298 : i32
        %get3A_300 = arith.index_cast %add3A_299 : i32 to index
        %get3A_301 = tpu.vector_load %arg8[%get3A_300] {strides = array<i32>} : memref<2048xi32, #tpu.memory_space<vmem>>, vector<16xi32>,
        %gather3A_302 = tpu.vector_load_idx %arg6[%get3A_301] : memref<100000xf32, #tpu.memory_space<vmem>>[vector<16xi32>], vector<16xf32>,
        %add3A_303 = arith.constant 16 : i32
        %add3A_304 = arith.addi %mul3A_291, %add3A_303 : i32
        %swap3A_305 = arith.index_cast %add3A_304 : i32 to index
        %swap3A_306 = tpu.vector_load %arg10[%swap3A_305] {strides = array<i32>} : memref<2048xf32, #tpu.memory_space<vmem>>, vector<16xf32>,
        tpu.vector_store %arg10[%swap3A_305], %gather3A_302 {strides = array<i32>} : memref<2048xf32, #tpu.memory_space<vmem>>, vector<16xf32>,
        %add3A_307 = arith.constant 32 : i32
        %add3A_308 = arith.addi %mul3A_291, %add3A_307 : i32
        %get3A_309 = arith.index_cast %add3A_308 : i32 to index
        %get3A_310 = tpu.vector_load %arg8[%get3A_309] {strides = array<i32>} : memref<2048xi32, #tpu.memory_space<vmem>>, vector<16xi32>,
        %gather3A_311 = tpu.vector_load_idx %arg6[%get3A_310] : memref<100000xf32, #tpu.memory_space<vmem>>[vector<16xi32>], vector<16xf32>,
        %add3A_312 = arith.constant 32 : i32
        %add3A_313 = arith.addi %mul3A_291, %add3A_312 : i32
        %swap3A_314 = arith.index_cast %add3A_313 : i32 to index
        %swap3A_315 = tpu.vector_load %arg10[%swap3A_314] {strides = array<i32>} : memref<2048xf32, #tpu.memory_space<vmem>>, vector<16xf32>,
        tpu.vector_store %arg10[%swap3A_314], %gather3A_311 {strides = array<i32>} : memref<2048xf32, #tpu.memory_space<vmem>>, vector<16xf32>,
        %add3A_316 = arith.constant 48 : i32
        %add3A_317 = arith.addi %mul3A_291, %add3A_316 : i32
        %get3A_318 = arith.index_cast %add3A_317 : i32 to index
        %get3A_319 = tpu.vector_load %arg8[%get3A_318] {strides = array<i32>} : memref<2048xi32, #tpu.memory_space<vmem>>, vector<16xi32>,
        %gather3A_320 = tpu.vector_load_idx %arg6[%get3A_319] : memref<100000xf32, #tpu.memory_space<vmem>>[vector<16xi32>], vector<16xf32>,
        %add3A_321 = arith.constant 48 : i32
        %add3A_322 = arith.addi %mul3A_291, %add3A_321 : i32
        %swap3A_323 = arith.index_cast %add3A_322 : i32 to index
        %swap3A_324 = tpu.vector_load %arg10[%swap3A_323] {strides = array<i32>} : memref<2048xf32, #tpu.memory_space<vmem>>, vector<16xf32>,
        tpu.vector_store %arg10[%swap3A_323], %gather3A_320 {strides = array<i32>} : memref<2048xf32, #tpu.memory_space<vmem>>, vector<16xf32>,
        %add3A_325 = arith.constant 64 : i32
        %add3A_326 = arith.addi %mul3A_291, %add3A_325 : i32
        %get3A_327 = arith.index_cast %add3A_326 : i32 to index
        %get3A_328 = tpu.vector_load %arg8[%get3A_327] {strides = array<i32>} : memref<2048xi32, #tpu.memory_space<vmem>>, vector<16xi32>,
        %gather3A_329 = tpu.vector_load_idx %arg6[%get3A_328] : memref<100000xf32, #tpu.memory_space<vmem>>[vector<16xi32>], vector<16xf32>,
        %add3A_330 = arith.constant 64 : i32
        %add3A_331 = arith.addi %mul3A_291, %add3A_330 : i32
        %swap3A_332 = arith.index_cast %add3A_331 : i32 to index
        %swap3A_333 = tpu.vector_load %arg10[%swap3A_332] {strides = array<i32>} : memref<2048xf32, #tpu.memory_space<vmem>>, vector<16xf32>,
        tpu.vector_store %arg10[%swap3A_332], %gather3A_329 {strides = array<i32>} : memref<2048xf32, #tpu.memory_space<vmem>>, vector<16xf32>,
        %add3A_334 = arith.constant 80 : i32
        %add3A_335 = arith.addi %mul3A_291, %add3A_334 : i32
        %get3A_336 = arith.index_cast %add3A_335 : i32 to index
        %get3A_337 = tpu.vector_load %arg8[%get3A_336] {strides = array<i32>} : memref<2048xi32, #tpu.memory_space<vmem>>, vector<16xi32>,
        %gather3A_338 = tpu.vector_load_idx %arg6[%get3A_337] : memref<100000xf32, #tpu.memory_space<vmem>>[vector<16xi32>], vector<16xf32>,
        %add3A_339 = arith.constant 80 : i32
        %add3A_340 = arith.addi %mul3A_291, %add3A_339 : i32
        %swap3A_341 = arith.index_cast %add3A_340 : i32 to index
        %swap3A_342 = tpu.vector_load %arg10[%swap3A_341] {strides = array<i32>} : memref<2048xf32, #tpu.memory_space<vmem>>, vector<16xf32>,
        tpu.vector_store %arg10[%swap3A_341], %gather3A_338 {strides = array<i32>} : memref<2048xf32, #tpu.memory_space<vmem>>, vector<16xf32>,
        %add3A_343 = arith.constant 96 : i32
        %add3A_344 = arith.addi %mul3A_291, %add3A_343 : i32
        %get3A_345 = arith.index_cast %add3A_344 : i32 to index
        %get3A_346 = tpu.vector_load %arg8[%get3A_345] {strides = array<i32>} : memref<2048xi32, #tpu.memory_space<vmem>>, vector<16xi32>,
        %gather3A_347 = tpu.vector_load_idx %arg6[%get3A_346] : memref<100000xf32, #tpu.memory_space<vmem>>[vector<16xi32>], vector<16xf32>,
        %add3A_348 = arith.constant 96 : i32
        %add3A_349 = arith.addi %mul3A_291, %add3A_348 : i32
        %swap3A_350 = arith.index_cast %add3A_349 : i32 to index
        %swap3A_351 = tpu.vector_load %arg10[%swap3A_350] {strides = array<i32>} : memref<2048xf32, #tpu.memory_space<vmem>>, vector<16xf32>,
        tpu.vector_store %arg10[%swap3A_350], %gather3A_347 {strides = array<i32>} : memref<2048xf32, #tpu.memory_space<vmem>>, vector<16xf32>,
        %add3A_352 = arith.constant 112 : i32
        %add3A_353 = arith.addi %mul3A_291, %add3A_352 : i32
        %get3A_354 = arith.index_cast %add3A_353 : i32 to index
        %get3A_355 = tpu.vector_load %arg8[%get3A_354] {strides = array<i32>} : memref<2048xi32, #tpu.memory_space<vmem>>, vector<16xi32>,
        %gather3A_356 = tpu.vector_load_idx %arg6[%get3A_355] : memref<100000xf32, #tpu.memory_space<vmem>>[vector<16xi32>], vector<16xf32>,
        %add3A_357 = arith.constant 112 : i32
        %add3A_358 = arith.addi %mul3A_291, %add3A_357 : i32
        %swap3A_359 = arith.index_cast %add3A_358 : i32 to index
        %swap3A_360 = tpu.vector_load %arg10[%swap3A_359] {strides = array<i32>} : memref<2048xf32, #tpu.memory_space<vmem>>, vector<16xf32>,
        tpu.vector_store %arg10[%swap3A_359], %gather3A_356 {strides = array<i32>} : memref<2048xf32, #tpu.memory_space<vmem>>, vector<16xf32>,
      }
      %scan3A_270 = arith.constant 16 : i32
      %dma_start3A_271 = arith.constant 14336 : i32
      %dma_start3A_272 = tpu.memref_slice %arg5[%add3A_9, %dma_start3A_271] : memref<416x16384xf32, #tpu.memory_space<hbm>> -> memref<1x2048xf32, #tpu.memory_space<hbm>>
      %dma_start3A_273 = tpu.memref_squeeze %dma_start3A_272 : memref<1x2048xf32, #tpu.memory_space<hbm>> -> memref<2048xf32, #tpu.memory_space<hbm>>
      %dma_start3A_274 = arith.constant 14336 : i32
      %dma_start3A_275 = tpu.memref_slice %arg5[%add3A_9, %dma_start3A_274] : memref<416x16384xf32, #tpu.memory_space<hbm>> -> memref<1x2048xf32, #tpu.memory_space<hbm>>
      %dma_start3A_276 = tpu.memref_squeeze %dma_start3A_275 : memref<1x2048xf32, #tpu.memory_space<hbm>> -> memref<2048xf32, #tpu.memory_space<hbm>>
      tpu.enqueue_dma source(%arg10 : memref<2048xf32, #tpu.memory_space<vmem>>) target(%dma_start3A_276 : memref<2048xf32, #tpu.memory_space<hbm>>) target_semaphore(%arg14 : memref<!tpu.dma_semaphore, #tpu.memory_space<semaphore_mem>>)
      %dma_wait3A_277 = arith.constant 12288 : i32
      %dma_wait3A_278 = tpu.memref_slice %arg5[%add3A_9, %dma_wait3A_277] : memref<416x16384xf32, #tpu.memory_space<hbm>> -> memref<1x2048xf32, #tpu.memory_space<hbm>>
      %dma_wait3A_279 = tpu.memref_squeeze %dma_wait3A_278 : memref<1x2048xf32, #tpu.memory_space<hbm>> -> memref<2048xf32, #tpu.memory_space<hbm>>
      %dma_wait3A_280 = arith.constant 12288 : i32
      %dma_wait3A_281 = tpu.memref_slice %arg5[%add3A_9, %dma_wait3A_280] : memref<416x16384xf32, #tpu.memory_space<hbm>> -> memref<1x2048xf32, #tpu.memory_space<hbm>>
      %dma_wait3A_282 = tpu.memref_squeeze %dma_wait3A_281 : memref<1x2048xf32, #tpu.memory_space<hbm>> -> memref<2048xf32, #tpu.memory_space<hbm>>
      tpu.wait_dma2 semaphore(%arg13 : memref<!tpu.dma_semaphore, #tpu.memory_space<semaphore_mem>>) src(%arg9 : memref<2048xf32, #tpu.memory_space<vmem>>) dst(%dma_wait3A_282 : memref<2048xf32, #tpu.memory_space<hbm>>)
      %dma_wait3A_283 = arith.constant 14336 : i32
      %dma_wait3A_284 = tpu.memref_slice %arg5[%add3A_9, %dma_wait3A_283] : memref<416x16384xf32, #tpu.memory_space<hbm>> -> memref<1x2048xf32, #tpu.memory_space<hbm>>
      %dma_wait3A_285 = tpu.memref_squeeze %dma_wait3A_284 : memref<1x2048xf32, #tpu.memory_space<hbm>> -> memref<2048xf32, #tpu.memory_space<hbm>>
      %dma_wait3A_286 = arith.constant 14336 : i32
      %dma_wait3A_287 = tpu.memref_slice %arg5[%add3A_9, %dma_wait3A_286] : memref<416x16384xf32, #tpu.memory_space<hbm>> -> memref<1x2048xf32, #tpu.memory_space<hbm>>
      %dma_wait3A_288 = tpu.memref_squeeze %dma_wait3A_287 : memref<1x2048xf32, #tpu.memory_space<hbm>> -> memref<2048xf32, #tpu.memory_space<hbm>>
      tpu.wait_dma2 semaphore(%arg14 : memref<!tpu.dma_semaphore, #tpu.memory_space<semaphore_mem>>) src(%arg10 : memref<2048xf32, #tpu.memory_space<vmem>>) dst(%dma_wait3A_288 : memref<2048xf32, #tpu.memory_space<hbm>>)
    }
    %scan3A_5 = arith.constant 13 : i32
    return
  }
}

module attributes {stable_mosaic.version = 14 : i64} {
  func.func @_mlp_t_body(%arg0: i32, %arg1: memref<416x2048xf32, #tpu.memory_space<vmem>>, %arg2: memref<416x128xf32, #tpu.memory_space<vmem>>, %arg3: memref<128x1xf32, #tpu.memory_space<vmem>>, %arg4: memref<128x416xf32, #tpu.memory_space<vmem>>, %arg5: memref<416x1xf32, #tpu.memory_space<vmem>>, %arg6: memref<416x2048xf32, #tpu.memory_space<vmem>>) attributes {dimension_semantics = [#tpu.dimension_semantics<arbitrary>], iteration_bounds = array<i64: 8>, scalar_prefetch = 0 : i64, scratch_operands = 0 : i64, tpu.core_type = #tpu.core_type<tc>, window_params = [{transform_indices = @transform_0, window_bounds = array<i64: 416, 2048>}, {pipeline_mode = #tpu.pipeline_mode<synchronous>, transform_indices = @transform_1, window_bounds = array<i64: 416, 128>}, {pipeline_mode = #tpu.pipeline_mode<synchronous>, transform_indices = @transform_2, window_bounds = array<i64: 128, 1>}, {pipeline_mode = #tpu.pipeline_mode<synchronous>, transform_indices = @transform_3, window_bounds = array<i64: 128, 416>}, {pipeline_mode = #tpu.pipeline_mode<synchronous>, transform_indices = @transform_4, window_bounds = array<i64: 416, 1>}, {transform_indices = @transform_5, window_bounds = array<i64: 416, 2048>}]} {
    %get3A = arith.constant 0 : index
    %get3A_0 = arith.constant 0 : index
    %get3A_1 = vector.load %arg1[%get3A, %get3A_0] : memref<416x2048xf32, #tpu.memory_space<vmem>>, vector<416x2048xf32>
    %get3A_2 = arith.constant 0 : index
    %get3A_3 = arith.constant 0 : index
    %get3A_4 = vector.load %arg2[%get3A_2, %get3A_3] : memref<416x128xf32, #tpu.memory_space<vmem>>, vector<416x128xf32>
    %dot_general3A = arith.constant dense<0.000000e+00> : vector<128x2048xf32>
    %dot_general3A_5 = tpu.matmul %get3A_4, %get3A_1, %dot_general3A {dimension_numbers = #tpu.dot_dimension_numbers<[0], [0], [1], [1], [0, 1, 1, 1], [], []>, transpose_lhs_hint = false} : vector<416x128xf32>, vector<416x2048xf32>, vector<128x2048xf32> -> vector<128x2048xf32>
    %get3A_6 = arith.constant 0 : index
    %get3A_7 = arith.constant 0 : index
    %get3A_8 = vector.load %arg3[%get3A_6, %get3A_7] : memref<128x1xf32, #tpu.memory_space<vmem>>, vector<128x1xf32>
    %add3A = vector.broadcast %get3A_8 : vector<128x1xf32> to vector<128x2048xf32>
    %add3A_9 = arith.addf %dot_general3A_5, %add3A : vector<128x2048xf32>
    %max3A = arith.constant 0.000000e+00 : f32
    %max3A_10 = vector.broadcast %max3A : f32 to vector<128x2048xf32>
    %max3A_11 = arith.maximumf %add3A_9, %max3A_10 : vector<128x2048xf32>
    %get3A_12 = arith.constant 0 : index
    %get3A_13 = arith.constant 0 : index
    %get3A_14 = vector.load %arg4[%get3A_12, %get3A_13] : memref<128x416xf32, #tpu.memory_space<vmem>>, vector<128x416xf32>
    %dot_general3A_15 = arith.constant dense<0.000000e+00> : vector<416x2048xf32>
    %dot_general3A_16 = tpu.matmul %get3A_14, %max3A_11, %dot_general3A_15 {dimension_numbers = #tpu.dot_dimension_numbers<[0], [0], [1], [1], [0, 1, 1, 1], [], []>, transpose_lhs_hint = false} : vector<128x416xf32>, vector<128x2048xf32>, vector<416x2048xf32> -> vector<416x2048xf32>
    %get3A_17 = arith.constant 0 : index
    %get3A_18 = arith.constant 0 : index
    %get3A_19 = vector.load %arg5[%get3A_17, %get3A_18] : memref<416x1xf32, #tpu.memory_space<vmem>>, vector<416x1xf32>
    %add3A_20 = vector.broadcast %get3A_19 : vector<416x1xf32> to vector<416x2048xf32>
    %add3A_21 = arith.addf %dot_general3A_16, %add3A_20 : vector<416x2048xf32>
    %neg3A = arith.constant 0.000000e+00 : f32
    %neg3A_22 = vector.broadcast %neg3A : f32 to vector<416x2048xf32>
    %neg3A_23 = arith.subf %neg3A_22, %add3A_21 : vector<416x2048xf32>
    %exp3A = math.exp %neg3A_23 : vector<416x2048xf32>
    %add3A_24 = arith.constant 1.000000e+00 : f32
    %add3A_25 = vector.broadcast %add3A_24 : f32 to vector<416x2048xf32>
    %add3A_26 = arith.addf %add3A_25, %exp3A : vector<416x2048xf32>
    %div3A = arith.constant 1.000000e+00 : f32
    %div3A_27 = vector.broadcast %div3A : f32 to vector<416x2048xf32>
    %div3A_28 = arith.divf %div3A_27, %add3A_26 : vector<416x2048xf32>
    %swap3A = arith.constant 0 : index
    %swap3A_29 = arith.constant 0 : index
    %swap3A_30 = vector.load %arg6[%swap3A, %swap3A_29] : memref<416x2048xf32, #tpu.memory_space<vmem>>, vector<416x2048xf32>
    tpu.vector_store %arg6[%swap3A, %swap3A_29], %div3A_28 {strides = array<i32>} : memref<416x2048xf32, #tpu.memory_space<vmem>>, vector<416x2048xf32>,
    return
  }
  func.func @transform_0(%arg0: i32) -> (i32, i32) {
    %c0_i32 = arith.constant 0 : i32
    %c0_i32_0 = arith.constant 0 : i32
    return %c0_i32, %arg0 : i32, i32
  }
  func.func @transform_1(%arg0: i32) -> (i32, i32) {
    %c0_i32 = arith.constant 0 : i32
    %c0_i32_0 = arith.constant 0 : i32
    %c0_i32_1 = arith.constant 0 : i32
    return %c0_i32, %c0_i32_0 : i32, i32
  }
  func.func @transform_2(%arg0: i32) -> (i32, i32) {
    %c0_i32 = arith.constant 0 : i32
    %c0_i32_0 = arith.constant 0 : i32
    %c0_i32_1 = arith.constant 0 : i32
    return %c0_i32, %c0_i32_0 : i32, i32
  }
  func.func @transform_3(%arg0: i32) -> (i32, i32) {
    %c0_i32 = arith.constant 0 : i32
    %c0_i32_0 = arith.constant 0 : i32
    %c0_i32_1 = arith.constant 0 : i32
    return %c0_i32, %c0_i32_0 : i32, i32
  }
  func.func @transform_4(%arg0: i32) -> (i32, i32) {
    %c0_i32 = arith.constant 0 : i32
    %c0_i32_0 = arith.constant 0 : i32
    %c0_i32_1 = arith.constant 0 : i32
    return %c0_i32, %c0_i32_0 : i32, i32
  }
  func.func @transform_5(%arg0: i32) -> (i32, i32) {
    %c0_i32 = arith.constant 0 : i32
    %c0_i32_0 = arith.constant 0 : i32
    return %c0_i32, %arg0 : i32, i32
  }
}

</mosaic_0001>

<sc_bundles>
// kernel: kernel.4.cloned.1.call-start
scs
__scs_entry_jumppad:
0x0: {  	(pc) =	sbr.rel $0x88, $3  }
0x1: {  	(tag) =	ssettag $0x0;
	lr =	simm.s32 $0x1  }
0x2: {  	[smem:$0x3F9B] =	sst lr;
	_ =	strace $0xD0000000  }
0x3: {  	_ = 	snop  }
0x4: {  	_ = 	snop  }
0x5: {  	_ = 	snop  }
0x6: {  	_ = 	snop  }
0x7: {  	_ = 	snop  }
__scs_overlays_trampoline_lowered:
0x8: {  	[smem:$0x3FAA] =	sst s0  }
0x9: {  	[smem:$0x3FAB] =	sst s1  }
0xa: {  	[smem:$0x3FAC] =	sst s2  }
0xb: {  	[smem:$0x3FAD] =	sst s3  }
0xc: {  	[smem:$0x3FAE] =	sst s4  }
0xd: {  	[smem:$0x3FAF] =	sst s5  }
0xe: {  	[smem:$0x3FB0] =	sst s6  }
0xf: {  	[smem:$0x3FB1] =	sst s7  }
0x10: {  	[smem:$0x3FB2] =	sst s8  }
0x11: {  	[smem:$0x3FB3] =	sst s9;
	s0 =	simm.s32 @!p0 $0x0  }
0x12: {  	s1 =	sld [smem:$0x3F99];
	s0 =	simm.s32 @p0 $0x1  }
0x13: {  	[smem:$0x3FB4] =	sst s0;
	s0 =	simm.s32 @!p1 $0x0  }
0x14: {  	s2 =	sld [smem:$0x3F98];
	s0 =	simm.s32 @p1 $0x1  }
0x15: {  	[smem:$0x3FB5] =	sst s0;
	s0 =	simm.s32 @!p2 $0x0  }
0x16: {  	s3 =	sld [smem:$0x3FDB];
	s0 =	simm.s32 @p2 $0x1  }
0x17: {  	s4 =	simm.s32 $0x1BF5;
	[smem:$0x3FB7] =	sst s0  }
0x18: {  	s0 =	sld [smem:$0x3F9A];
	_ =	swait.ge [sflag:s4], $0x0  }
0x19: {  	s7 =	sld [smem:$0x3F9B]  }
0x1a: {  	s8 =	sadd.s32 $0xFFFFE003, lr  }
0x1b: {  	s9 =	sadd.s32 $0xFFFFFEF7, lr;
	s5 =	simm.s32 $0xFFFFFFFF;
	p2 =	slt.u32 s8, $0xFFFFF086  }
0x1c: {  	p1 =	slt.u32 s9, $0xF7A;
	s5 =	simm.s32 @!p2 $0x0  }
0x1d: {  	s5 =	simm.s32 @p1 $0x1;
	p0 =	seq.s32 s7, s2  }
0x1e: {  	s7 =	smul.u32 @!p0 $0xF7A, s2;
	p2 =	seq.s32 @!p0 s5, $0x0  }
0x1f: {  	s9 =	smul.u32 $0xF7A, s1;
	s8 =	simm.s32 @!p0 $0x1BF5;
	p2 =	por !p2, p0  }
0x20: {  	[sflag:s8] =	ssyncset.s32 @!p0 $0xFFFFF086;
	s6 =	sadd.s32 @!p0 s3, s7;
	s7 =	simm.s32 @!p0 $0x108  }
0x21: {  	s3 =	sadd.s32 s3, s9;
	s6 =	sadd.s32 @!p0 $0x88, s6;
	s7 =	simm.s32 @p2 $0x1082  }
0x22: {  	[simem:s7], [sflag:s8] =	dma.local @!p0 [hbm:s6], $0xF7A  }
0x23: {  	s9 =	sor.u32 $0xD0000000, s2;
	s6 =	simm.s32 $0x108;
	_ =	swait.ge @!p0 [sflag:s8], $0x0  }
0x24: {  	s3 =	sadd.s32 $0x88, s3;
	s6 =	simm.s32 @!p1 $0x1082;
	[sflag:s4] =	ssyncset.s32 $0xFFFFF086  }
0x25: {  	[simem:s6], [sflag:s4] =	dma.local [hbm:s3], $0xF7A  }
0x26: {  	[smem:$0x3F9B] =	sst s1;
	(tag) =	ssettag s2;
	_ =	strace s9  }
0x27: {  	s1 =	sld [smem:$0x3FAB]  }
0x28: {  	s2 =	sld [smem:$0x3FAC]  }
0x29: {  	s4 =	sld [smem:$0x3FAE]  }
0x2a: {  	p0 =	seq.s32 s5, $0x0;
	s5 =	sld [smem:$0x3FAF]  }
0x2b: {  	s6 =	sld [smem:$0x3FB0]  }
0x2c: {  	s7 =	sld [smem:$0x3FB1]  }
0x2d: {  	s3 =	simm.s32 $0x108;
	s8 =	sld [smem:$0x3FB2]  }
0x2e: {  	s3 =	simm.s32 @!p0 $0x1082;
	s9 =	sld [smem:$0x3FB3]  }
0x2f: {  	lr =	sadd.s32 s0, s3;
	s0 =	sld [smem:$0x3FAA]  }
0x30: {  	s3 =	sld [smem:$0x3FAD]  }
0x31: {  	[smem:$0x3FB6] =	sst s10  }
0x32: {  	s10 =	sld [smem:$0x3FB4];
	_ =	sdelay $0x3  }
0x33: {  	p0 =	seq.s32 s10, $0x1;
	s10 =	sld [smem:$0x3FB6];
	_ =	sdelay $0x3  }
0x34: {  	[smem:$0x3FB6] =	sst s10  }
0x35: {  	s10 =	sld [smem:$0x3FB5];
	_ =	sdelay $0x3  }
0x36: {  	p1 =	seq.s32 s10, $0x1;
	s10 =	sld [smem:$0x3FB6];
	_ =	sdelay $0x3  }
0x37: {  	[smem:$0x3FB6] =	sst s10  }
0x38: {  	s10 =	sld [smem:$0x3FB7]  }
0x39: {  	_ = 	snop;
	(pc) =	sbr.ind lr, $3  }
0x3a: {  	_ = 	snop  }
0x3b: {  	_ = 	snop  }
0x3c: {  	p2 =	seq.s32 s10, $0x1;
	s10 =	sld [smem:$0x3FB6]  }
0x3d: {  	_ =	shalt  }
0x3e: {  	_ =	shalt  }
0x3f: {  	_ =	shalt  }
0x40: {  	_ =	shalt  }
0x41: {  	_ =	shalt  }
0x42: {  	_ =	shalt  }
0x43: {  	_ =	shalt  }
0x44: {  	_ =	shalt  }
0x45: {  	_ =	shalt  }
0x46: {  	_ =	shalt  }
0x47: {  	_ =	shalt  }
0x48: {  	_ =	shalt  }
0x49: {  	_ =	shalt  }
0x4a: {  	_ =	shalt  }
0x4b: {  	_ =	shalt  }
0x4c: {  	_ =	shalt  }
0x4d: {  	_ =	shalt  }
0x4e: {  	_ =	shalt  }
0x4f: {  	_ =	shalt  }
0x50: {  	_ =	shalt  }
0x51: {  	_ =	shalt  }
0x52: {  	_ =	shalt  }
0x53: {  	_ =	shalt  }
0x54: {  	_ =	shalt  }
0x55: {  	_ =	shalt  }
0x56: {  	_ =	shalt  }
0x57: {  	_ =	shalt  }
0x58: {  	_ =	shalt  }
0x59: {  	_ =	shalt  }
0x5a: {  	_ =	shalt  }
0x5b: {  	_ =	shalt  }
0x5c: {  	_ =	shalt  }
0x5d: {  	_ =	shalt  }
0x5e: {  	_ =	shalt  }
0x5f: {  	_ =	shalt  }
0x60: {  	_ =	shalt  }
0x61: {  	_ =	shalt  }
0x62: {  	_ =	shalt  }
0x63: {  	_ =	shalt  }
0x64: {  	_ =	shalt  }
0x65: {  	_ =	shalt  }
0x66: {  	_ =	shalt  }
0x67: {  	_ =	shalt  }
0x68: {  	_ =	shalt  }
0x69: {  	_ =	shalt  }
0x6a: {  	_ =	shalt  }
0x6b: {  	_ =	shalt  }
0x6c: {  	_ =	shalt  }
0x6d: {  	_ =	shalt  }
0x6e: {  	_ =	shalt  }
0x6f: {  	_ =	shalt  }
0x70: {  	_ =	shalt  }
0x71: {  	_ =	shalt  }
0x72: {  	_ =	shalt  }
0x73: {  	_ =	shalt  }
0x74: {  	_ =	shalt  }
0x75: {  	_ =	shalt  }
0x76: {  	_ =	shalt  }
0x77: {  	_ =	shalt  }
0x78: {  	_ =	shalt  }
0x79: {  	_ =	shalt  }
0x7a: {  	_ =	shalt  }
0x7b: {  	_ =	shalt  }
0x7c: {  	_ =	shalt  }
0x7d: {  	_ =	shalt  }
0x7e: {  	_ =	shalt  }
0x7f: {  	_ =	shalt  }
0x80: {  	_ =	shalt  }
0x81: {  	_ =	shalt  }
0x82: {  	_ =	shalt  }
0x83: {  	_ =	shalt  }
0x84: {  	_ =	shalt  }
0x85: {  	_ =	shalt  }
0x86: {  	_ =	shalt  }
0x87: {  	_ =	shalt  }
.Lfunc_end0:
.L_simem_size_0:
called_computation_lowered:
.L_overlay_start_0:
0x88: {  	s2 =	sld [smem:$0x3FD9]  }
0x89: {  	s3 =	sld [smem:$0x3FFE];
	_ =	sdelay $0x1  }
0x8a: {  	s1 =	srdreg.scid  }
0x8b: {  	s0 =	sand.u32 $0x1, s1  }
0x8c: {  	s17 =	sshll.u32 s0, $0xA;
	s2 =	sadd.s32 s3, s2  }
0x8d: {  	s2 =	sadd.s32 s2, s17  }
0x8e: {  	[smem:$0x3FC2] =	sst s2  }
0x8f: {  	_ = 	snop  }
0x90: {  	s2 =	sld [smem:$0x3FC8]  }
0x91: {  	s18 =	sld [smem:$0x3FD0];
	(tm) =	ssettm $0x1  }
0x92: {  	s4 =	sld [smem:$0x3FFB];
	_ =	sdelay $0x3  }
0x93: {  	_ =	strace s4  }
0x94: {  	s4 =	sld [smem:$0x3FFC];
	_ =	sdelay $0x3  }
0x95: {  	_ =	strace s4  }
0x96: {  	s4 =	sld [smem:$0x3FFD];
	_ =	sdelay $0x3  }
0x97: {  	_ =	strace s4  }
0x98: {  	_ =	strace $0x8FFFFFFF  }
0x99: {  	s19 =	sld [smem:$0x3FDB];
	_ =	sdelay $0x1  }
0x9a: {  	s5 =	simm.s32 $_scs_section_size  }
0x9b: {  	s6 =	simm.s32 $_size__tile_overlayer_lowered;
	s7 =	simm.s32 $_tile_overlayer_lowered  }
0x9c: {  	s22 =	simm.s32 $0x1BFF;
	s21 =	sshll.u32 s7, $0x1;
	s4 =	sadd.s32 s5, s19  }
0x9d: {  	s8 =	simm.s32 $0x0;
	s20 =	sshll.u32 s6, $0x1;
	s6 =	sadd.s32 s21, s4  }
0x9e: {  	[timem:s8], [sflag:s22] =	dma.local [hbm:s6], s20  }
0x9f: {  	_ =	swait.ge [sflag:s22], s20  }
0xa0: {  	s5 =	ssub.s32 $0x0, s20;
	[sflag:s22] =	ssyncset.done $0x0  }
0xa1: {  	[sflag:s22] =	ssyncadd.s32 s5;
	_ =	sdelay $0x1  }
0xa2: {  	s23 =	simm.s32 $0x1B8B  }
0xa3: {  	_ =	swait.ge [sflag:s23], $0x1  }
0xa4: {  	[sflag:s23] =	ssyncset.done $0x0  }
0xa5: {  	s25 =	simm.s32 $0x1B8E;
	s24 =	sld [smem:$0x3FFE];
	[sflag:s23] =	ssyncadd.s32 $0xFFFFFFFF  }
0xa6: {  	s26 =	simm.s32 $execute0_lowered;
	[smem:$0x3FD2] =	sst s25  }
0xa7: {  	s6 =	sshll.u32 s26, $0x1;
	_ =	strace $0x80000046;
	[dreg:$0x1] =	wrdreg $0xFFFFFFFF  }
0xa8: {  	s28 =	simm.s32 $_size_execute0_lowered;
	s4 =	sadd.s32 s4, s6;
	[dreg:$0x0] =	wrdreg $0x0  }
0xa9: {  	s6 =	sshll.u32 s28, $0x1;
	[dreg:$0x2] =	wrdreg s4  }
0xaa: {  	[dreg:$0x3] =	wrdreg s6  }
0xab: {  	[dreg:$0x4] =	wrdreg $0xC0  }
0xac: {  	_ =	task [dreg:s8], $0x5FFFF  }
0xad: {  	[dreg:$0x1] =	wrdreg $0xFFFFFFFF  }
0xae: {  	[dreg:$0x0] =	wrdreg $0x60  }
0xaf: {  	[dreg:$0x2] =	wrdreg s2  }
0xb0: {  	[dreg:$0x3] =	wrdreg s18  }
0xb1: {  	[dreg:$0x4] =	wrdreg s24  }
0xb2: {  	[dreg:$0x5] =	wrdreg $0x9  }
0xb3: {  	_ =	task.clear_ibuf [dreg:s8], $0x6FFFF;
	_ =	strace $0x90000046  }
0xb4: {  	s29 =	simm.s32 $0x9;
	_ =	strace $0x80000048  }
0xb5: {  	_ =	swait.ge [sflag:s29], $0x1  }
0xb6: {  	[sflag:s29] =	ssyncadd.s32 $0xFFFFFFFF  }
0xb7: {  	_ =	strace $0x90000048  }
0xb8: {  	_ =	sfence  }
0xb9: {  	s30 =	sld [smem:$0x0];
	_ =	sdelay $0x2  }
0xba: {  	s31 =	sshll.u32 s1, $0xD;
	s1 =	sshrl.u32 s1, $0x2  }
0xbb: {  	s3 =	sand.u32 $0x4000, s31;
	s1 =	sadd.s32 s1, s30  }
0xbc: {  	s0 =	sor.u32 s3, s0;
	s1 =	sshll.u32 s1, $0x11  }
0xbd: {  	s0 =	sor.u32 s1, s0  }
0xbe: {  	s0 =	sadd.s32 $0x8F2B, s0  }
0xbf: {  	[sflag:s0] =	ssyncadd.remote.s32 $0x1  }
0xc0: {  	_ =	sfence.sel $0xFFFF  }
0xc1: {  	[dreg:$0x0] =	wrdreg $0xFFFFFFFF;
	(pc) =	sbr.abs _section_cstart, $3  }
0xc2: {  	[dreg:$0x1] =	wrdreg $0xFFFFFFFF  }
0xc3: {  	_ =	task.clear_ibuf [dreg:s8], $0x2FFFF;
	_ =	strace $0x9FFFFFFF  }
0xc4: {  	(tm) =	ssettm $0x7FFFFFFF  }
0xc5: {  	_ =	shalt  }
tec
execute0_lowered:
.L_overlay_start_1:
0x0: {  	(tag) =	ssettag $0x1  }
0x1: {  	s6 =	rddreg [dreg:$0x1]  }
0x2: {  	s0 =	rddreg [dreg:$0x2];
	s4 =	simm.s32 $0x0;
	s1 =	srdreg.scid  }
0x3: {  	s3 =	stileid.u32;
	s30 =	simm.s32 $0x5;
	s31 =	simm.s32 $0x6  }
0x4: {  	s28 =	simm.s32 $0x4;
	[smem:$0x7FF] =	sst s4;
	s1 =	sand.u32 $0x1, s1  }
0x5: {  	s3 =	sshll.u32 s3, $0x1;
	s5 =	sadd.s32 $0xC00, s0;
	s22 =	sadd.s32 $0x1400, s0  }
0x6: {  	s23 =	sadd.s32 $0x100, s6;
	s24 =	sadd.s32 $0x200, s6;
	s25 =	sadd.s32 $0x1C00, s0  }
0x7: {  	s26 =	sadd.s32 $0x300, s6;
	s12 =	sadd.s32 $0x2400, s0;
	s13 =	sadd.s32 $0x400, s6  }
0x8: {  	s14 =	sadd.s32 $0x2C00, s0;
	_ =	strace $0x80000047;
	[dreg:$0x4] =	wrdreg s5  }
0x9: {  	s15 =	sadd.s32 $0x500, s6;
	s16 =	sadd.s32 $0x3400, s0;
	[dreg:$0x5] =	wrdreg s22  }
0xa: {  	s17 =	sadd.s32 $0x600, s6;
	s18 =	sadd.s32 $0x3C00, s0;
	[dreg:$0x7] =	wrdreg s23  }
0xb: {  	s19 =	sadd.s32 $0x700, s6;
	s20 =	sadd.s32 $0x4400, s0;
	[dreg:$0x8] =	wrdreg s24  }
0xc: {  	s6 =	simm.s32 $0x0;
	s2 =	ssub.s32 $0x2, s1;
	[dreg:$0x9] =	wrdreg s25  }
0xd: {  	s1 =	sor.u32 s1, s3;
	[dreg:$0xa] =	wrdreg s26;
	s23 =	simm.s32 $0x18700  }
0xe: {  	s24 =	simm.s32 $0x18F00;
	s25 =	simm.s32 $0x80;
	s26 =	simm.s32 $0x400  }
0xf: {  	s3 =	simm.s32 $0x19700;
	s21 =	sshrl.u32 s2, $0x1;
	s1 =	smul.u32 $0xD, s1  }
0x10: {  	s22 =	simm.s32 $0x2;
	s2 =	ssub.s32 s2, s21;
	s21 =	sadd.s32 $0x4C00, s0  }
0x11: {  	s0 =	simm.s32 $0x1;
	[dreg:$0x6] =	wrdreg s1;
	s29 =	smax.u32 s2, $0x1  }
0x12: {  	s1 =	simm.s32 $0x19F00;
	s2 =	simm.s32 $0x3;
	[dreg:$0xb] =	wrdreg s29  }
.LBB2_1:
0x13: {  	[dreg:$0xc] =	wrdreg s6;
	s29 =	simm.s32 $0x0  }
.LBB2_2:
0x14: {  	s5 =	rddreg [dreg:$0x6]  }
0x15: {  	s8 =	sadd.s32 s5, s29  }
0x16: {  	s7 =	sshll.u32 s8, $0x7  }
0x17: {  	s9 =	rddreg [dreg:$0x1];
	s6 =	sand.u32 $0xFFFF800, s7  }
0x18: {  	s10 =	rddreg [dreg:$0x7];
	s5 =	sadd.s32 s9, s6;
	s9 =	simm.s32 $0x0  }
0x19: {  	[tilespmem:s23], [sflag:$0x1] =	stream.linear.gather [hbm4b:s5+s9], $0x800, $0x38;
	[tilespmem:$0x1A700] =	vst v63  }
0x1a: {  	s5 =	sadd.s32 s6, s10  }
0x1b: {  	[tilespmem:s24], [sflag:$0x2] =	stream.linear.gather [hbm4b:s5+s9], $0x800, $0x38;
	[tilespmem:$0x1A700] =	vst v63  }
0x1c: {  	s5 =	sshrl.u32 s8, $0x3  }
0x1d: {  	s10 =	smul.u32 $0xC3800, s5  }
0x1e: {  	s7 =	sand.u32 $0x380, s7  }
0x1f: {  	s10 =	sor.u32 s7, s10  }
0x20: {  	s11 =	rddreg [dreg:$0x0];
	s10 =	sshrl.u32 s10, $0x3  }
0x21: {  	s10 =	sadd.s32 s11, s10  }
0x22: {  	[tilespmem:s9], [sflag:$0x5] =	stream.strided.gather [hbm4b:s10+s25], $0xC300, s26, s25, $0x38;
	[tilespmem:$0x1A700] =	vst v63  }
0x23: {  	s11 =	simm.s32 $0xC300;
	s10 =	sadd.s32 $0xC300, s10  }
0x24: {  	[tilespmem:s11], [sflag:$0x6] =	stream.strided.gather [hbm4b:s10+s25], $0xC380, s26, s25, $0x38;
	[tilespmem:$0x1A700] =	vst v63  }
0x25: {  	s8 =	sshll.u32 s8, $0x2;
	s11 =	rddreg [dreg:$0x4]  }
0x26: {  	s8 =	sadd.s32 s11, s8;
	s11 =	simm.s32 $0x18680  }
0x27: {  	[tilespmem:s11], [sflag:$0x5] =	stream.linear.gather [hbm4b:s8+s9], $0x20, $0x38;
	[tilespmem:$0x1A700] =	vst v63  }
0x28: {  	_ =	swait.ge [sflag:s30], $0xC300  }
0x29: {  	[sflag:s30] =	ssyncset.done $0x0  }
0x2a: {  	[sflag:s30] =	ssyncadd.s32 $0xFFFF3D00  }
0x2b: {  	_ =	swait.ge [sflag:s31], $0xC380  }
0x2c: {  	[sflag:s31] =	ssyncset.done $0x0  }
0x2d: {  	[sflag:s31] =	ssyncadd.s32 $0xFFFF3C80  }
0x2e: {  	_ =	swait.ge [sflag:s30], $0x20  }
0x2f: {  	[sflag:s30] =	ssyncset.done $0x0  }
0x30: {  	[sflag:s30] =	ssyncadd.s32 $0xFFFFFFE0  }
0x31: {  	_ =	swait.ge [sflag:s0], $0x800  }
0x32: {  	[sflag:s0] =	ssyncset.done $0x0  }
0x33: {  	s8 =	simm.s32 $0x0;
	[sflag:s0] =	ssyncadd.s32 $0xFFFFF800  }
0x34: {  	v0 =	vld [tilespmem:s8+$0x18700];
	_ =	sdelay $0x5  }
0x35: {  	v1 =	vld [tilespmem:s8+$0x18710];
	_ =	sdelay $0x1  }
0x36: {  	v0 =	vld.idx.msk [tilespmem:v0+s4+$0x0], $0xffff;
	_ =	sdelay $0x4  }
0x37: {  	[tilespmem:s8+$0x19700] =	vst v0;
	v0 =	vld [tilespmem:s8+$0x18720]  }
0x38: {  	v1 =	vld.idx.msk [tilespmem:v1+s4+$0x0], $0xffff;
	_ =	sdelay $0x4  }
0x39: {  	[tilespmem:s8+$0x19710] =	vst v1;
	v1 =	vld [tilespmem:s8+$0x18730];
	_ =	sdelay $0x1  }
0x3a: {  	v0 =	vld.idx.msk [tilespmem:v0+s4+$0x0], $0xffff;
	_ =	sdelay $0x4  }
0x3b: {  	[tilespmem:s8+$0x19720] =	vst v0;
	v0 =	vld [tilespmem:s8+$0x18740]  }
0x3c: {  	v1 =	vld.idx.msk [tilespmem:v1+s4+$0x0], $0xffff;
	_ =	sdelay $0x4  }
0x3d: {  	[tilespmem:s8+$0x19730] =	vst v1;
	v1 =	vld [tilespmem:s8+$0x18750];
	_ =	sdelay $0x1  }
0x3e: {  	v0 =	vld.idx.msk [tilespmem:v0+s4+$0x0], $0xffff;
	_ =	sdelay $0x4  }
0x3f: {  	v2 =	vld [tilespmem:s8+$0x18760];
	[tilespmem:s8+$0x19740] =	vst v0  }
0x40: {  	v0 =	vld.idx.msk [tilespmem:v1+s4+$0x0], $0xffff;
	_ =	sdelay $0x4  }
0x41: {  	[tilespmem:s8+$0x19750] =	vst v0;
	v0 =	vld [tilespmem:s8+$0x18770];
	_ =	sdelay $0x1  }
0x42: {  	v1 =	vld.idx.msk [tilespmem:v2+s4+$0x0], $0xffff;
	_ =	sdelay $0x3  }
0x43: {  	s10 =	simm.s32 $0x80;
	s9 =	simm.s32 $0x400  }
.LBB2_3:
0x44: {  	p0 =	sne.s32 s9, $0x1E00;
	v2 =	vld [tilespmem:s10+$0x18700];
	[tilespmem:s8+$0x19760] =	vst v1  }
0x45: {  	v0 =	vld.idx.msk [tilespmem:v0+s4+$0x0], $0xffff;
	_ =	sdelay $0x5  }
0x46: {  	v1 =	vld [tilespmem:s10+$0x18710];
	[tilespmem:s8+$0x19770] =	vst v0;
	s8 =	smov.u32 s10  }
0x47: {  	v0 =	vld.idx.msk [tilespmem:v2+s4+$0x0], $0xffff;
	_ =	sdelay $0x5  }
0x48: {  	[tilespmem:s8+$0x19700] =	vst v0;
	v0 =	vld [tilespmem:s8+$0x18720]  }
0x49: {  	v1 =	vld.idx.msk [tilespmem:v1+s4+$0x0], $0xffff;
	_ =	sdelay $0x5  }
0x4a: {  	[tilespmem:s8+$0x19710] =	vst v1;
	v1 =	vld [tilespmem:s8+$0x18730]  }
0x4b: {  	v0 =	vld.idx.msk [tilespmem:v0+s4+$0x0], $0xffff;
	_ =	sdelay $0x5  }
0x4c: {  	[tilespmem:s8+$0x19720] =	vst v0;
	v0 =	vld [tilespmem:s8+$0x18740]  }
0x4d: {  	v1 =	vld.idx.msk [tilespmem:v1+s4+$0x0], $0xffff;
	_ =	sdelay $0x5  }
0x4e: {  	[tilespmem:s8+$0x19730] =	vst v1;
	v1 =	vld [tilespmem:s8+$0x18750]  }
0x4f: {  	v0 =	vld.idx.msk [tilespmem:v0+s4+$0x0], $0xffff;
	_ =	sdelay $0x5  }
0x50: {  	[tilespmem:s8+$0x19740] =	vst v0;
	v2 =	vld [tilespmem:s8+$0x18760]  }
0x51: {  	v0 =	vld.idx.msk [tilespmem:v1+s4+$0x0], $0xffff;
	_ =	sdelay $0x5  }
0x52: {  	[tilespmem:s8+$0x19750] =	vst v0;
	v0 =	vld [tilespmem:s8+$0x18770]  }
0x53: {  	v1 =	vld.idx.msk [tilespmem:v2+s4+$0x0], $0xffff  }
.Ltmp0:
0x54: {  	(pc) =	sbr.rel @p0 .LBB2_3-.Ltmp0, $2  }
0x55: {  	_ =	sdelay $0x2  }
0x56: {  	s10 =	sshra.s32 s9, $0x2;
	s9 =	sadd.s32 $0x200, s9  }
0x57: {  	_ =	sdelay $0x1  }
0x58: {  	v2 =	vld [tilespmem:s10+$0x18700]  }
0x59: {  	[tilespmem:s8+$0x19760] =	vst v1  }
0x5a: {  	v0 =	vld.idx.msk [tilespmem:v0+s4+$0x0], $0xffff;
	_ =	sdelay $0x3  }
0x5b: {  	v1 =	vld [tilespmem:s10+$0x18710]  }
0x5c: {  	[tilespmem:s8+$0x19770] =	vst v0  }
0x5d: {  	v0 =	vld.idx.msk [tilespmem:v2+s4+$0x0], $0xffff;
	_ =	sdelay $0x4  }
0x5e: {  	[tilespmem:s10+$0x19700] =	vst v0;
	v0 =	vld [tilespmem:s10+$0x18720]  }
0x5f: {  	v1 =	vld.idx.msk [tilespmem:v1+s4+$0x0], $0xffff;
	_ =	sdelay $0x4  }
0x60: {  	[tilespmem:s10+$0x19710] =	vst v1;
	v1 =	vld [tilespmem:s10+$0x18730];
	_ =	sdelay $0x1  }
0x61: {  	v0 =	vld.idx.msk [tilespmem:v0+s4+$0x0], $0xffff;
	_ =	sdelay $0x4  }
0x62: {  	[tilespmem:s10+$0x19720] =	vst v0;
	v0 =	vld [tilespmem:s10+$0x18740]  }
0x63: {  	v1 =	vld.idx.msk [tilespmem:v1+s4+$0x0], $0xffff;
	_ =	sdelay $0x4  }
0x64: {  	[tilespmem:s10+$0x19730] =	vst v1;
	v1 =	vld [tilespmem:s10+$0x18750];
	_ =	sdelay $0x1  }
0x65: {  	v0 =	vld.idx.msk [tilespmem:v0+s4+$0x0], $0xffff;
	_ =	sdelay $0x4  }
0x66: {  	[tilespmem:s10+$0x19740] =	vst v0;
	v0 =	vld [tilespmem:s10+$0x18760]  }
0x67: {  	v1 =	vld.idx.msk [tilespmem:v1+s4+$0x0], $0xffff;
	_ =	sdelay $0x4  }
0x68: {  	[tilespmem:s10+$0x19750] =	vst v1;
	v1 =	vld [tilespmem:s10+$0x18770];
	_ =	sdelay $0x1  }
0x69: {  	v0 =	vld.idx.msk [tilespmem:v0+s4+$0x0], $0xffff;
	_ =	sdelay $0x4  }
0x6a: {  	[tilespmem:s10+$0x19760] =	vst v0  }
0x6b: {  	v0 =	vld.idx.msk [tilespmem:v1+s4+$0x0], $0xffff;
	_ =	sdelay $0x1  }
0x6c: {  	s5 =	sshll.u32 s5, $0x11  }
0x6d: {  	s5 =	sor.u32 s7, s5  }
0x6e: {  	s9 =	rddreg [dreg:$0x5];
	s5 =	sshrl.u32 s5, $0x3  }
0x6f: {  	s7 =	sadd.s32 s9, s5;
	[tilespmem:s10+$0x19770] =	vst v0;
	s10 =	rddreg [dreg:$0x8]  }
0x70: {  	[hbm4b:s7+s25] =	stream.strided.scatter [tilespmem:s3], [sflag:$0x3], $0x800, s26, s25, $0x38;
	[tilespmem:$0x1A700] =	vst v63  }
0x71: {  	s11 =	simm.s32 $0x0;
	s7 =	sadd.s32 s6, s10  }
0x72: {  	[tilespmem:s23], [sflag:$0x1] =	stream.linear.gather [hbm4b:s7+s11], $0x800, $0x38;
	[tilespmem:$0x1A700] =	vst v63  }
0x73: {  	_ =	swait.ge [sflag:s22], $0x800  }
0x74: {  	[sflag:s22] =	ssyncset.done $0x0  }
0x75: {  	s7 =	simm.s32 $0x0;
	[sflag:s22] =	ssyncadd.s32 $0xFFFFF800  }
0x76: {  	v0 =	vld [tilespmem:s7+$0x18F00];
	_ =	sdelay $0x5  }
0x77: {  	v1 =	vld [tilespmem:s7+$0x18F10];
	_ =	sdelay $0x1  }
0x78: {  	v0 =	vld.idx.msk [tilespmem:v0+s4+$0x0], $0xffff;
	_ =	sdelay $0x4  }
0x79: {  	[tilespmem:s7+$0x19F00] =	vst v0;
	v0 =	vld [tilespmem:s7+$0x18F20]  }
0x7a: {  	v1 =	vld.idx.msk [tilespmem:v1+s4+$0x0], $0xffff;
	_ =	sdelay $0x4  }
0x7b: {  	[tilespmem:s7+$0x19F10] =	vst v1;
	v1 =	vld [tilespmem:s7+$0x18F30];
	_ =	sdelay $0x1  }
0x7c: {  	v0 =	vld.idx.msk [tilespmem:v0+s4+$0x0], $0xffff;
	_ =	sdelay $0x4  }
0x7d: {  	[tilespmem:s7+$0x19F20] =	vst v0;
	v0 =	vld [tilespmem:s7+$0x18F40]  }
0x7e: {  	v1 =	vld.idx.msk [tilespmem:v1+s4+$0x0], $0xffff;
	_ =	sdelay $0x4  }
0x7f: {  	[tilespmem:s7+$0x19F30] =	vst v1;
	v1 =	vld [tilespmem:s7+$0x18F50];
	_ =	sdelay $0x1  }
0x80: {  	v0 =	vld.idx.msk [tilespmem:v0+s4+$0x0], $0xffff;
	_ =	sdelay $0x4  }
0x81: {  	v2 =	vld [tilespmem:s7+$0x18F60];
	[tilespmem:s7+$0x19F40] =	vst v0  }
0x82: {  	v0 =	vld.idx.msk [tilespmem:v1+s4+$0x0], $0xffff;
	_ =	sdelay $0x4  }
0x83: {  	[tilespmem:s7+$0x19F50] =	vst v0;
	v0 =	vld [tilespmem:s7+$0x18F70];
	_ =	sdelay $0x1  }
0x84: {  	v1 =	vld.idx.msk [tilespmem:v2+s4+$0x0], $0xffff;
	_ =	sdelay $0x3  }
0x85: {  	s9 =	simm.s32 $0x80;
	s8 =	simm.s32 $0x400  }
.LBB2_5:
0x86: {  	p0 =	sne.s32 s8, $0x1E00;
	v2 =	vld [tilespmem:s9+$0x18F00];
	[tilespmem:s7+$0x19F60] =	vst v1  }
0x87: {  	v0 =	vld.idx.msk [tilespmem:v0+s4+$0x0], $0xffff;
	_ =	sdelay $0x5  }
0x88: {  	v1 =	vld [tilespmem:s9+$0x18F10];
	[tilespmem:s7+$0x19F70] =	vst v0;
	s7 =	smov.u32 s9  }
0x89: {  	v0 =	vld.idx.msk [tilespmem:v2+s4+$0x0], $0xffff;
	_ =	sdelay $0x5  }
0x8a: {  	[tilespmem:s7+$0x19F00] =	vst v0;
	v0 =	vld [tilespmem:s7+$0x18F20]  }
0x8b: {  	v1 =	vld.idx.msk [tilespmem:v1+s4+$0x0], $0xffff;
	_ =	sdelay $0x5  }
0x8c: {  	[tilespmem:s7+$0x19F10] =	vst v1;
	v1 =	vld [tilespmem:s7+$0x18F30]  }
0x8d: {  	v0 =	vld.idx.msk [tilespmem:v0+s4+$0x0], $0xffff;
	_ =	sdelay $0x5  }
0x8e: {  	[tilespmem:s7+$0x19F20] =	vst v0;
	v0 =	vld [tilespmem:s7+$0x18F40]  }
0x8f: {  	v1 =	vld.idx.msk [tilespmem:v1+s4+$0x0], $0xffff;
	_ =	sdelay $0x5  }
0x90: {  	[tilespmem:s7+$0x19F30] =	vst v1;
	v1 =	vld [tilespmem:s7+$0x18F50]  }
0x91: {  	v0 =	vld.idx.msk [tilespmem:v0+s4+$0x0], $0xffff;
	_ =	sdelay $0x5  }
0x92: {  	[tilespmem:s7+$0x19F40] =	vst v0;
	v2 =	vld [tilespmem:s7+$0x18F60]  }
0x93: {  	v0 =	vld.idx.msk [tilespmem:v1+s4+$0x0], $0xffff;
	_ =	sdelay $0x5  }
0x94: {  	[tilespmem:s7+$0x19F50] =	vst v0;
	v0 =	vld [tilespmem:s7+$0x18F70]  }
0x95: {  	v1 =	vld.idx.msk [tilespmem:v2+s4+$0x0], $0xffff  }
.Ltmp1:
0x96: {  	(pc) =	sbr.rel @p0 .LBB2_5-.Ltmp1, $2  }
0x97: {  	_ =	sdelay $0x2  }
0x98: {  	s9 =	sshra.s32 s8, $0x2;
	s8 =	sadd.s32 $0x200, s8  }
0x99: {  	_ =	sdelay $0x1  }
0x9a: {  	v2 =	vld [tilespmem:s9+$0x18F00]  }
0x9b: {  	[tilespmem:s7+$0x19F60] =	vst v1  }
0x9c: {  	v0 =	vld.idx.msk [tilespmem:v0+s4+$0x0], $0xffff;
	_ =	sdelay $0x3  }
0x9d: {  	v1 =	vld [tilespmem:s9+$0x18F10]  }
0x9e: {  	[tilespmem:s7+$0x19F70] =	vst v0  }
0x9f: {  	v0 =	vld.idx.msk [tilespmem:v2+s4+$0x0], $0xffff;
	_ =	sdelay $0x4  }
0xa0: {  	[tilespmem:s9+$0x19F00] =	vst v0;
	v0 =	vld [tilespmem:s9+$0x18F20]  }
0xa1: {  	v1 =	vld.idx.msk [tilespmem:v1+s4+$0x0], $0xffff;
	_ =	sdelay $0x4  }
0xa2: {  	[tilespmem:s9+$0x19F10] =	vst v1;
	v1 =	vld [tilespmem:s9+$0x18F30];
	_ =	sdelay $0x1  }
0xa3: {  	v0 =	vld.idx.msk [tilespmem:v0+s4+$0x0], $0xffff;
	_ =	sdelay $0x4  }
0xa4: {  	[tilespmem:s9+$0x19F20] =	vst v0;
	v0 =	vld [tilespmem:s9+$0x18F40]  }
0xa5: {  	v1 =	vld.idx.msk [tilespmem:v1+s4+$0x0], $0xffff;
	_ =	sdelay $0x4  }
0xa6: {  	[tilespmem:s9+$0x19F30] =	vst v1;
	v1 =	vld [tilespmem:s9+$0x18F50];
	_ =	sdelay $0x1  }
0xa7: {  	v0 =	vld.idx.msk [tilespmem:v0+s4+$0x0], $0xffff;
	_ =	sdelay $0x4  }
0xa8: {  	[tilespmem:s9+$0x19F40] =	vst v0;
	v0 =	vld [tilespmem:s9+$0x18F60]  }
0xa9: {  	v1 =	vld.idx.msk [tilespmem:v1+s4+$0x0], $0xffff;
	_ =	sdelay $0x4  }
0xaa: {  	[tilespmem:s9+$0x19F50] =	vst v1;
	v1 =	vld [tilespmem:s9+$0x18F70];
	_ =	sdelay $0x1  }
0xab: {  	v0 =	vld.idx.msk [tilespmem:v0+s4+$0x0], $0xffff;
	_ =	sdelay $0x4  }
0xac: {  	[tilespmem:s9+$0x19F60] =	vst v0  }
0xad: {  	v0 =	vld.idx.msk [tilespmem:v1+s4+$0x0], $0xffff;
	_ =	sdelay $0x3  }
0xae: {  	s10 =	rddreg [dreg:$0x9]  }
0xaf: {  	s11 =	rddreg [dreg:$0xa];
	s7 =	sadd.s32 s5, s10;
	[tilespmem:s9+$0x19F70] =	vst v0  }
0xb0: {  	[hbm4b:s7+s25] =	stream.strided.scatter [tilespmem:s1], [sflag:$0x4], $0x800, s26, s25, $0x38;
	[tilespmem:$0x1A700] =	vst v63  }
0xb1: {  	s8 =	simm.s32 $0x0;
	s7 =	sadd.s32 s6, s11  }
0xb2: {  	[tilespmem:s24], [sflag:$0x2] =	stream.linear.gather [hbm4b:s7+s8], $0x800, $0x38;
	[tilespmem:$0x1A700] =	vst v63  }
0xb3: {  	_ =	swait.ge [sflag:s2], $0x800  }
0xb4: {  	[sflag:s2] =	ssyncset.done $0x0  }
0xb5: {  	[sflag:s2] =	ssyncadd.s32 $0xFFFFF800  }
0xb6: {  	_ =	swait.ge [sflag:s0], $0x800  }
0xb7: {  	[sflag:s0] =	ssyncset.done $0x0  }
0xb8: {  	s7 =	simm.s32 $0x0;
	[sflag:s0] =	ssyncadd.s32 $0xFFFFF800  }
0xb9: {  	v0 =	vld [tilespmem:s7+$0x18700];
	_ =	sdelay $0x5  }
0xba: {  	v1 =	vld [tilespmem:s7+$0x18710];
	_ =	sdelay $0x1  }
0xbb: {  	v0 =	vld.idx.msk [tilespmem:v0+s4+$0x0], $0xffff;
	_ =	sdelay $0x4  }
0xbc: {  	[tilespmem:s7+$0x19700] =	vst v0;
	v0 =	vld [tilespmem:s7+$0x18720]  }
0xbd: {  	v1 =	vld.idx.msk [tilespmem:v1+s4+$0x0], $0xffff;
	_ =	sdelay $0x4  }
0xbe: {  	[tilespmem:s7+$0x19710] =	vst v1;
	v1 =	vld [tilespmem:s7+$0x18730];
	_ =	sdelay $0x1  }
0xbf: {  	v0 =	vld.idx.msk [tilespmem:v0+s4+$0x0], $0xffff;
	_ =	sdelay $0x4  }
0xc0: {  	[tilespmem:s7+$0x19720] =	vst v0;
	v0 =	vld [tilespmem:s7+$0x18740]  }
0xc1: {  	v1 =	vld.idx.msk [tilespmem:v1+s4+$0x0], $0xffff;
	_ =	sdelay $0x4  }
0xc2: {  	[tilespmem:s7+$0x19730] =	vst v1;
	v1 =	vld [tilespmem:s7+$0x18750];
	_ =	sdelay $0x1  }
0xc3: {  	v0 =	vld.idx.msk [tilespmem:v0+s4+$0x0], $0xffff;
	_ =	sdelay $0x4  }
0xc4: {  	v2 =	vld [tilespmem:s7+$0x18760];
	[tilespmem:s7+$0x19740] =	vst v0  }
0xc5: {  	v0 =	vld.idx.msk [tilespmem:v1+s4+$0x0], $0xffff;
	_ =	sdelay $0x4  }
0xc6: {  	[tilespmem:s7+$0x19750] =	vst v0;
	v0 =	vld [tilespmem:s7+$0x18770];
	_ =	sdelay $0x1  }
0xc7: {  	v1 =	vld.idx.msk [tilespmem:v2+s4+$0x0], $0xffff;
	_ =	sdelay $0x3  }
0xc8: {  	s9 =	simm.s32 $0x80;
	s8 =	simm.s32 $0x400  }
.LBB2_7:
0xc9: {  	p0 =	sne.s32 s8, $0x1E00;
	v2 =	vld [tilespmem:s9+$0x18700];
	[tilespmem:s7+$0x19760] =	vst v1  }
0xca: {  	v0 =	vld.idx.msk [tilespmem:v0+s4+$0x0], $0xffff;
	_ =	sdelay $0x5  }
0xcb: {  	v1 =	vld [tilespmem:s9+$0x18710];
	[tilespmem:s7+$0x19770] =	vst v0;
	s7 =	smov.u32 s9  }
0xcc: {  	v0 =	vld.idx.msk [tilespmem:v2+s4+$0x0], $0xffff;
	_ =	sdelay $0x5  }
0xcd: {  	[tilespmem:s7+$0x19700] =	vst v0;
	v0 =	vld [tilespmem:s7+$0x18720]  }
0xce: {  	v1 =	vld.idx.msk [tilespmem:v1+s4+$0x0], $0xffff;
	_ =	sdelay $0x5  }
0xcf: {  	[tilespmem:s7+$0x19710] =	vst v1;
	v1 =	vld [tilespmem:s7+$0x18730]  }
0xd0: {  	v0 =	vld.idx.msk [tilespmem:v0+s4+$0x0], $0xffff;
	_ =	sdelay $0x5  }
0xd1: {  	[tilespmem:s7+$0x19720] =	vst v0;
	v0 =	vld [tilespmem:s7+$0x18740]  }
0xd2: {  	v1 =	vld.idx.msk [tilespmem:v1+s4+$0x0], $0xffff;
	_ =	sdelay $0x5  }
0xd3: {  	[tilespmem:s7+$0x19730] =	vst v1;
	v1 =	vld [tilespmem:s7+$0x18750]  }
0xd4: {  	v0 =	vld.idx.msk [tilespmem:v0+s4+$0x0], $0xffff;
	_ =	sdelay $0x5  }
0xd5: {  	[tilespmem:s7+$0x19740] =	vst v0;
	v2 =	vld [tilespmem:s7+$0x18760]  }
0xd6: {  	v0 =	vld.idx.msk [tilespmem:v1+s4+$0x0], $0xffff;
	_ =	sdelay $0x5  }
0xd7: {  	[tilespmem:s7+$0x19750] =	vst v0;
	v0 =	vld [tilespmem:s7+$0x18770]  }
0xd8: {  	v1 =	vld.idx.msk [tilespmem:v2+s4+$0x0], $0xffff  }
.Ltmp2:
0xd9: {  	(pc) =	sbr.rel @p0 .LBB2_7-.Ltmp2, $2  }
0xda: {  	_ =	sdelay $0x2  }
0xdb: {  	s9 =	sshra.s32 s8, $0x2;
	s8 =	sadd.s32 $0x200, s8  }
0xdc: {  	_ =	sdelay $0x1  }
0xdd: {  	v2 =	vld [tilespmem:s9+$0x18700]  }
0xde: {  	[tilespmem:s7+$0x19760] =	vst v1  }
0xdf: {  	v0 =	vld.idx.msk [tilespmem:v0+s4+$0x0], $0xffff;
	_ =	sdelay $0x3  }
0xe0: {  	v1 =	vld [tilespmem:s9+$0x18710]  }
0xe1: {  	[tilespmem:s7+$0x19770] =	vst v0  }
0xe2: {  	v0 =	vld.idx.msk [tilespmem:v2+s4+$0x0], $0xffff;
	_ =	sdelay $0x4  }
0xe3: {  	[tilespmem:s9+$0x19700] =	vst v0;
	v0 =	vld [tilespmem:s9+$0x18720]  }
0xe4: {  	v1 =	vld.idx.msk [tilespmem:v1+s4+$0x0], $0xffff;
	_ =	sdelay $0x4  }
0xe5: {  	[tilespmem:s9+$0x19710] =	vst v1;
	v1 =	vld [tilespmem:s9+$0x18730];
	_ =	sdelay $0x1  }
0xe6: {  	v0 =	vld.idx.msk [tilespmem:v0+s4+$0x0], $0xffff;
	_ =	sdelay $0x4  }
0xe7: {  	[tilespmem:s9+$0x19720] =	vst v0;
	v0 =	vld [tilespmem:s9+$0x18740]  }
0xe8: {  	v1 =	vld.idx.msk [tilespmem:v1+s4+$0x0], $0xffff;
	_ =	sdelay $0x4  }
0xe9: {  	[tilespmem:s9+$0x19730] =	vst v1;
	v1 =	vld [tilespmem:s9+$0x18750];
	_ =	sdelay $0x1  }
0xea: {  	v0 =	vld.idx.msk [tilespmem:v0+s4+$0x0], $0xffff;
	_ =	sdelay $0x4  }
0xeb: {  	[tilespmem:s9+$0x19740] =	vst v0;
	v0 =	vld [tilespmem:s9+$0x18760]  }
0xec: {  	v1 =	vld.idx.msk [tilespmem:v1+s4+$0x0], $0xffff;
	_ =	sdelay $0x4  }
0xed: {  	[tilespmem:s9+$0x19750] =	vst v1;
	v1 =	vld [tilespmem:s9+$0x18770];
	_ =	sdelay $0x1  }
0xee: {  	v0 =	vld.idx.msk [tilespmem:v0+s4+$0x0], $0xffff;
	_ =	sdelay $0x4  }
0xef: {  	[tilespmem:s9+$0x19760] =	vst v0  }
0xf0: {  	v0 =	vld.idx.msk [tilespmem:v1+s4+$0x0], $0xffff;
	_ =	sdelay $0x4  }
0xf1: {  	s10 =	sadd.s32 s5, s12;
	[tilespmem:s9+$0x19770] =	vst v0  }
0xf2: {  	[hbm4b:s10+s25] =	stream.strided.scatter [tilespmem:s3], [sflag:$0x3], $0x800, s26, s25, $0x38;
	[tilespmem:$0x1A700] =	vst v63  }
0xf3: {  	s11 =	sadd.s32 s6, s13;
	s8 =	simm.s32 $0x0  }
0xf4: {  	[tilespmem:s23], [sflag:$0x1] =	stream.linear.gather [hbm4b:s11+s8], $0x800, $0x38;
	[tilespmem:$0x1A700] =	vst v63  }
0xf5: {  	_ =	swait.ge [sflag:s28], $0x800  }
0xf6: {  	[sflag:s28] =	ssyncset.done $0x0  }
0xf7: {  	[sflag:s28] =	ssyncadd.s32 $0xFFFFF800  }
0xf8: {  	_ =	swait.ge [sflag:s22], $0x800  }
0xf9: {  	[sflag:s22] =	ssyncset.done $0x0  }
0xfa: {  	s7 =	simm.s32 $0x0;
	[sflag:s22] =	ssyncadd.s32 $0xFFFFF800  }
0xfb: {  	v0 =	vld [tilespmem:s7+$0x18F00];
	_ =	sdelay $0x5  }
0xfc: {  	v1 =	vld [tilespmem:s7+$0x18F10];
	_ =	sdelay $0x1  }
0xfd: {  	v0 =	vld.idx.msk [tilespmem:v0+s4+$0x0], $0xffff;
	_ =	sdelay $0x4  }
0xfe: {  	[tilespmem:s7+$0x19F00] =	vst v0;
	v0 =	vld [tilespmem:s7+$0x18F20]  }
0xff: {  	v1 =	vld.idx.msk [tilespmem:v1+s4+$0x0], $0xffff;
	_ =	sdelay $0x4  }
0x100: {  	[tilespmem:s7+$0x19F10] =	vst v1;
	v1 =	vld [tilespmem:s7+$0x18F30];
	_ =	sdelay $0x1  }
0x101: {  	v0 =	vld.idx.msk [tilespmem:v0+s4+$0x0], $0xffff;
	_ =	sdelay $0x4  }
0x102: {  	[tilespmem:s7+$0x19F20] =	vst v0;
	v0 =	vld [tilespmem:s7+$0x18F40]  }
0x103: {  	v1 =	vld.idx.msk [tilespmem:v1+s4+$0x0], $0xffff;
	_ =	sdelay $0x4  }
0x104: {  	[tilespmem:s7+$0x19F30] =	vst v1;
	v1 =	vld [tilespmem:s7+$0x18F50];
	_ =	sdelay $0x1  }
0x105: {  	v0 =	vld.idx.msk [tilespmem:v0+s4+$0x0], $0xffff;
	_ =	sdelay $0x4  }
0x106: {  	v2 =	vld [tilespmem:s7+$0x18F60];
	[tilespmem:s7+$0x19F40] =	vst v0  }
0x107: {  	v0 =	vld.idx.msk [tilespmem:v1+s4+$0x0], $0xffff;
	_ =	sdelay $0x4  }
0x108: {  	[tilespmem:s7+$0x19F50] =	vst v0;
	v0 =	vld [tilespmem:s7+$0x18F70];
	_ =	sdelay $0x1  }
0x109: {  	v1 =	vld.idx.msk [tilespmem:v2+s4+$0x0], $0xffff;
	_ =	sdelay $0x3  }
0x10a: {  	s9 =	simm.s32 $0x80;
	s8 =	simm.s32 $0x400  }
.LBB2_9:
0x10b: {  	p0 =	sne.s32 s8, $0x1E00;
	v2 =	vld [tilespmem:s9+$0x18F00];
	[tilespmem:s7+$0x19F60] =	vst v1  }
0x10c: {  	v0 =	vld.idx.msk [tilespmem:v0+s4+$0x0], $0xffff;
	_ =	sdelay $0x5  }
0x10d: {  	v1 =	vld [tilespmem:s9+$0x18F10];
	[tilespmem:s7+$0x19F70] =	vst v0;
	s7 =	smov.u32 s9  }
0x10e: {  	v0 =	vld.idx.msk [tilespmem:v2+s4+$0x0], $0xffff;
	_ =	sdelay $0x5  }
0x10f: {  	[tilespmem:s7+$0x19F00] =	vst v0;
	v0 =	vld [tilespmem:s7+$0x18F20]  }
0x110: {  	v1 =	vld.idx.msk [tilespmem:v1+s4+$0x0], $0xffff;
	_ =	sdelay $0x5  }
0x111: {  	[tilespmem:s7+$0x19F10] =	vst v1;
	v1 =	vld [tilespmem:s7+$0x18F30]  }
0x112: {  	v0 =	vld.idx.msk [tilespmem:v0+s4+$0x0], $0xffff;
	_ =	sdelay $0x5  }
0x113: {  	[tilespmem:s7+$0x19F20] =	vst v0;
	v0 =	vld [tilespmem:s7+$0x18F40]  }
0x114: {  	v1 =	vld.idx.msk [tilespmem:v1+s4+$0x0], $0xffff;
	_ =	sdelay $0x5  }
0x115: {  	[tilespmem:s7+$0x19F30] =	vst v1;
	v1 =	vld [tilespmem:s7+$0x18F50]  }
0x116: {  	v0 =	vld.idx.msk [tilespmem:v0+s4+$0x0], $0xffff;
	_ =	sdelay $0x5  }
0x117: {  	[tilespmem:s7+$0x19F40] =	vst v0;
	v2 =	vld [tilespmem:s7+$0x18F60]  }
0x118: {  	v0 =	vld.idx.msk [tilespmem:v1+s4+$0x0], $0xffff;
	_ =	sdelay $0x5  }
0x119: {  	[tilespmem:s7+$0x19F50] =	vst v0;
	v0 =	vld [tilespmem:s7+$0x18F70]  }
0x11a: {  	v1 =	vld.idx.msk [tilespmem:v2+s4+$0x0], $0xffff  }
.Ltmp3:
0x11b: {  	(pc) =	sbr.rel @p0 .LBB2_9-.Ltmp3, $2  }
0x11c: {  	_ =	sdelay $0x2  }
0x11d: {  	s9 =	sshra.s32 s8, $0x2;
	s8 =	sadd.s32 $0x200, s8  }
0x11e: {  	_ =	sdelay $0x1  }
0x11f: {  	v2 =	vld [tilespmem:s9+$0x18F00]  }
0x120: {  	[tilespmem:s7+$0x19F60] =	vst v1  }
0x121: {  	v0 =	vld.idx.msk [tilespmem:v0+s4+$0x0], $0xffff;
	_ =	sdelay $0x3  }
0x122: {  	v1 =	vld [tilespmem:s9+$0x18F10]  }
0x123: {  	[tilespmem:s7+$0x19F70] =	vst v0  }
0x124: {  	v0 =	vld.idx.msk [tilespmem:v2+s4+$0x0], $0xffff;
	_ =	sdelay $0x4  }
0x125: {  	[tilespmem:s9+$0x19F00] =	vst v0;
	v0 =	vld [tilespmem:s9+$0x18F20]  }
0x126: {  	v1 =	vld.idx.msk [tilespmem:v1+s4+$0x0], $0xffff;
	_ =	sdelay $0x4  }
0x127: {  	[tilespmem:s9+$0x19F10] =	vst v1;
	v1 =	vld [tilespmem:s9+$0x18F30];
	_ =	sdelay $0x1  }
0x128: {  	v0 =	vld.idx.msk [tilespmem:v0+s4+$0x0], $0xffff;
	_ =	sdelay $0x4  }
0x129: {  	[tilespmem:s9+$0x19F20] =	vst v0;
	v0 =	vld [tilespmem:s9+$0x18F40]  }
0x12a: {  	v1 =	vld.idx.msk [tilespmem:v1+s4+$0x0], $0xffff;
	_ =	sdelay $0x4  }
0x12b: {  	[tilespmem:s9+$0x19F30] =	vst v1;
	v1 =	vld [tilespmem:s9+$0x18F50];
	_ =	sdelay $0x1  }
0x12c: {  	v0 =	vld.idx.msk [tilespmem:v0+s4+$0x0], $0xffff;
	_ =	sdelay $0x4  }
0x12d: {  	[tilespmem:s9+$0x19F40] =	vst v0;
	v0 =	vld [tilespmem:s9+$0x18F60]  }
0x12e: {  	v1 =	vld.idx.msk [tilespmem:v1+s4+$0x0], $0xffff;
	_ =	sdelay $0x4  }
0x12f: {  	[tilespmem:s9+$0x19F50] =	vst v1;
	v1 =	vld [tilespmem:s9+$0x18F70];
	_ =	sdelay $0x1  }
0x130: {  	v0 =	vld.idx.msk [tilespmem:v0+s4+$0x0], $0xffff;
	_ =	sdelay $0x4  }
0x131: {  	[tilespmem:s9+$0x19F60] =	vst v0  }
0x132: {  	v0 =	vld.idx.msk [tilespmem:v1+s4+$0x0], $0xffff;
	_ =	sdelay $0x4  }
0x133: {  	s10 =	sadd.s32 s5, s14;
	[tilespmem:s9+$0x19F70] =	vst v0  }
0x134: {  	[hbm4b:s10+s25] =	stream.strided.scatter [tilespmem:s1], [sflag:$0x4], $0x800, s26, s25, $0x38;
	[tilespmem:$0x1A700] =	vst v63  }
0x135: {  	s11 =	sadd.s32 s6, s15;
	s8 =	simm.s32 $0x0  }
0x136: {  	[tilespmem:s24], [sflag:$0x2] =	stream.linear.gather [hbm4b:s11+s8], $0x800, $0x38;
	[tilespmem:$0x1A700] =	vst v63  }
0x137: {  	_ =	swait.ge [sflag:s2], $0x800  }
0x138: {  	[sflag:s2] =	ssyncset.done $0x0  }
0x139: {  	[sflag:s2] =	ssyncadd.s32 $0xFFFFF800  }
0x13a: {  	_ =	swait.ge [sflag:s0], $0x800  }
0x13b: {  	[sflag:s0] =	ssyncset.done $0x0  }
0x13c: {  	s7 =	simm.s32 $0x0;
	[sflag:s0] =	ssyncadd.s32 $0xFFFFF800  }
0x13d: {  	v0 =	vld [tilespmem:s7+$0x18700];
	_ =	sdelay $0x5  }
0x13e: {  	v1 =	vld [tilespmem:s7+$0x18710];
	_ =	sdelay $0x1  }
0x13f: {  	v0 =	vld.idx.msk [tilespmem:v0+s4+$0x0], $0xffff;
	_ =	sdelay $0x4  }
0x140: {  	[tilespmem:s7+$0x19700] =	vst v0;
	v0 =	vld [tilespmem:s7+$0x18720]  }
0x141: {  	v1 =	vld.idx.msk [tilespmem:v1+s4+$0x0], $0xffff;
	_ =	sdelay $0x4  }
0x142: {  	[tilespmem:s7+$0x19710] =	vst v1;
	v1 =	vld [tilespmem:s7+$0x18730];
	_ =	sdelay $0x1  }
0x143: {  	v0 =	vld.idx.msk [tilespmem:v0+s4+$0x0], $0xffff;
	_ =	sdelay $0x4  }
0x144: {  	[tilespmem:s7+$0x19720] =	vst v0;
	v0 =	vld [tilespmem:s7+$0x18740]  }
0x145: {  	v1 =	vld.idx.msk [tilespmem:v1+s4+$0x0], $0xffff;
	_ =	sdelay $0x4  }
0x146: {  	[tilespmem:s7+$0x19730] =	vst v1;
	v1 =	vld [tilespmem:s7+$0x18750];
	_ =	sdelay $0x1  }
0x147: {  	v0 =	vld.idx.msk [tilespmem:v0+s4+$0x0], $0xffff;
	_ =	sdelay $0x4  }
0x148: {  	v2 =	vld [tilespmem:s7+$0x18760];
	[tilespmem:s7+$0x19740] =	vst v0  }
0x149: {  	v0 =	vld.idx.msk [tilespmem:v1+s4+$0x0], $0xffff;
	_ =	sdelay $0x4  }
0x14a: {  	[tilespmem:s7+$0x19750] =	vst v0;
	v0 =	vld [tilespmem:s7+$0x18770];
	_ =	sdelay $0x1  }
0x14b: {  	v1 =	vld.idx.msk [tilespmem:v2+s4+$0x0], $0xffff;
	_ =	sdelay $0x3  }
0x14c: {  	s9 =	simm.s32 $0x80;
	s8 =	simm.s32 $0x400  }
.LBB2_11:
0x14d: {  	p0 =	sne.s32 s8, $0x1E00;
	v2 =	vld [tilespmem:s9+$0x18700];
	[tilespmem:s7+$0x19760] =	vst v1  }
0x14e: {  	v0 =	vld.idx.msk [tilespmem:v0+s4+$0x0], $0xffff;
	_ =	sdelay $0x5  }
0x14f: {  	v1 =	vld [tilespmem:s9+$0x18710];
	[tilespmem:s7+$0x19770] =	vst v0;
	s7 =	smov.u32 s9  }
0x150: {  	v0 =	vld.idx.msk [tilespmem:v2+s4+$0x0], $0xffff;
	_ =	sdelay $0x5  }
0x151: {  	[tilespmem:s7+$0x19700] =	vst v0;
	v0 =	vld [tilespmem:s7+$0x18720]  }
0x152: {  	v1 =	vld.idx.msk [tilespmem:v1+s4+$0x0], $0xffff;
	_ =	sdelay $0x5  }
0x153: {  	[tilespmem:s7+$0x19710] =	vst v1;
	v1 =	vld [tilespmem:s7+$0x18730]  }
0x154: {  	v0 =	vld.idx.msk [tilespmem:v0+s4+$0x0], $0xffff;
	_ =	sdelay $0x5  }
0x155: {  	[tilespmem:s7+$0x19720] =	vst v0;
	v0 =	vld [tilespmem:s7+$0x18740]  }
0x156: {  	v1 =	vld.idx.msk [tilespmem:v1+s4+$0x0], $0xffff;
	_ =	sdelay $0x5  }
0x157: {  	[tilespmem:s7+$0x19730] =	vst v1;
	v1 =	vld [tilespmem:s7+$0x18750]  }
0x158: {  	v0 =	vld.idx.msk [tilespmem:v0+s4+$0x0], $0xffff;
	_ =	sdelay $0x5  }
0x159: {  	[tilespmem:s7+$0x19740] =	vst v0;
	v2 =	vld [tilespmem:s7+$0x18760]  }
0x15a: {  	v0 =	vld.idx.msk [tilespmem:v1+s4+$0x0], $0xffff;
	_ =	sdelay $0x5  }
0x15b: {  	[tilespmem:s7+$0x19750] =	vst v0;
	v0 =	vld [tilespmem:s7+$0x18770]  }
0x15c: {  	v1 =	vld.idx.msk [tilespmem:v2+s4+$0x0], $0xffff  }
.Ltmp4:
0x15d: {  	(pc) =	sbr.rel @p0 .LBB2_11-.Ltmp4, $2  }
0x15e: {  	_ =	sdelay $0x2  }
0x15f: {  	s9 =	sshra.s32 s8, $0x2;
	s8 =	sadd.s32 $0x200, s8  }
0x160: {  	_ =	sdelay $0x1  }
0x161: {  	v2 =	vld [tilespmem:s9+$0x18700]  }
0x162: {  	[tilespmem:s7+$0x19760] =	vst v1  }
0x163: {  	v0 =	vld.idx.msk [tilespmem:v0+s4+$0x0], $0xffff;
	_ =	sdelay $0x3  }
0x164: {  	v1 =	vld [tilespmem:s9+$0x18710]  }
0x165: {  	[tilespmem:s7+$0x19770] =	vst v0  }
0x166: {  	v0 =	vld.idx.msk [tilespmem:v2+s4+$0x0], $0xffff;
	_ =	sdelay $0x4  }
0x167: {  	[tilespmem:s9+$0x19700] =	vst v0;
	v0 =	vld [tilespmem:s9+$0x18720]  }
0x168: {  	v1 =	vld.idx.msk [tilespmem:v1+s4+$0x0], $0xffff;
	_ =	sdelay $0x4  }
0x169: {  	[tilespmem:s9+$0x19710] =	vst v1;
	v1 =	vld [tilespmem:s9+$0x18730];
	_ =	sdelay $0x1  }
0x16a: {  	v0 =	vld.idx.msk [tilespmem:v0+s4+$0x0], $0xffff;
	_ =	sdelay $0x4  }
0x16b: {  	[tilespmem:s9+$0x19720] =	vst v0;
	v0 =	vld [tilespmem:s9+$0x18740]  }
0x16c: {  	v1 =	vld.idx.msk [tilespmem:v1+s4+$0x0], $0xffff;
	_ =	sdelay $0x4  }
0x16d: {  	[tilespmem:s9+$0x19730] =	vst v1;
	v1 =	vld [tilespmem:s9+$0x18750];
	_ =	sdelay $0x1  }
0x16e: {  	v0 =	vld.idx.msk [tilespmem:v0+s4+$0x0], $0xffff;
	_ =	sdelay $0x4  }
0x16f: {  	[tilespmem:s9+$0x19740] =	vst v0;
	v0 =	vld [tilespmem:s9+$0x18760]  }
0x170: {  	v1 =	vld.idx.msk [tilespmem:v1+s4+$0x0], $0xffff;
	_ =	sdelay $0x4  }
0x171: {  	[tilespmem:s9+$0x19750] =	vst v1;
	v1 =	vld [tilespmem:s9+$0x18770];
	_ =	sdelay $0x1  }
0x172: {  	v0 =	vld.idx.msk [tilespmem:v0+s4+$0x0], $0xffff;
	_ =	sdelay $0x4  }
0x173: {  	[tilespmem:s9+$0x19760] =	vst v0  }
0x174: {  	v0 =	vld.idx.msk [tilespmem:v1+s4+$0x0], $0xffff;
	_ =	sdelay $0x4  }
0x175: {  	s10 =	sadd.s32 s5, s16;
	[tilespmem:s9+$0x19770] =	vst v0  }
0x176: {  	[hbm4b:s10+s25] =	stream.strided.scatter [tilespmem:s3], [sflag:$0x3], $0x800, s26, s25, $0x38;
	[tilespmem:$0x1A700] =	vst v63  }
0x177: {  	s11 =	sadd.s32 s6, s17;
	s8 =	simm.s32 $0x0  }
0x178: {  	[tilespmem:s23], [sflag:$0x1] =	stream.linear.gather [hbm4b:s11+s8], $0x800, $0x38;
	[tilespmem:$0x1A700] =	vst v63  }
0x179: {  	_ =	swait.ge [sflag:s28], $0x800  }
0x17a: {  	[sflag:s28] =	ssyncset.done $0x0  }
0x17b: {  	[sflag:s28] =	ssyncadd.s32 $0xFFFFF800  }
0x17c: {  	_ =	swait.ge [sflag:s22], $0x800  }
0x17d: {  	[sflag:s22] =	ssyncset.done $0x0  }
0x17e: {  	s7 =	simm.s32 $0x0;
	[sflag:s22] =	ssyncadd.s32 $0xFFFFF800  }
0x17f: {  	v0 =	vld [tilespmem:s7+$0x18F00];
	_ =	sdelay $0x5  }
0x180: {  	v1 =	vld [tilespmem:s7+$0x18F10];
	_ =	sdelay $0x1  }
0x181: {  	v0 =	vld.idx.msk [tilespmem:v0+s4+$0x0], $0xffff;
	_ =	sdelay $0x4  }
0x182: {  	[tilespmem:s7+$0x19F00] =	vst v0;
	v0 =	vld [tilespmem:s7+$0x18F20]  }
0x183: {  	v1 =	vld.idx.msk [tilespmem:v1+s4+$0x0], $0xffff;
	_ =	sdelay $0x4  }
0x184: {  	[tilespmem:s7+$0x19F10] =	vst v1;
	v1 =	vld [tilespmem:s7+$0x18F30];
	_ =	sdelay $0x1  }
0x185: {  	v0 =	vld.idx.msk [tilespmem:v0+s4+$0x0], $0xffff;
	_ =	sdelay $0x4  }
0x186: {  	[tilespmem:s7+$0x19F20] =	vst v0;
	v0 =	vld [tilespmem:s7+$0x18F40]  }
0x187: {  	v1 =	vld.idx.msk [tilespmem:v1+s4+$0x0], $0xffff;
	_ =	sdelay $0x4  }
0x188: {  	[tilespmem:s7+$0x19F30] =	vst v1;
	v1 =	vld [tilespmem:s7+$0x18F50];
	_ =	sdelay $0x1  }
0x189: {  	v0 =	vld.idx.msk [tilespmem:v0+s4+$0x0], $0xffff;
	_ =	sdelay $0x4  }
0x18a: {  	v2 =	vld [tilespmem:s7+$0x18F60];
	[tilespmem:s7+$0x19F40] =	vst v0  }
0x18b: {  	v0 =	vld.idx.msk [tilespmem:v1+s4+$0x0], $0xffff;
	_ =	sdelay $0x4  }
0x18c: {  	[tilespmem:s7+$0x19F50] =	vst v0;
	v0 =	vld [tilespmem:s7+$0x18F70];
	_ =	sdelay $0x1  }
0x18d: {  	v1 =	vld.idx.msk [tilespmem:v2+s4+$0x0], $0xffff;
	_ =	sdelay $0x3  }
0x18e: {  	s9 =	simm.s32 $0x80;
	s8 =	simm.s32 $0x400  }
.LBB2_13:
0x18f: {  	p0 =	sne.s32 s8, $0x1E00;
	v2 =	vld [tilespmem:s9+$0x18F00];
	[tilespmem:s7+$0x19F60] =	vst v1  }
0x190: {  	v0 =	vld.idx.msk [tilespmem:v0+s4+$0x0], $0xffff;
	_ =	sdelay $0x5  }
0x191: {  	v1 =	vld [tilespmem:s9+$0x18F10];
	[tilespmem:s7+$0x19F70] =	vst v0;
	s7 =	smov.u32 s9  }
0x192: {  	v0 =	vld.idx.msk [tilespmem:v2+s4+$0x0], $0xffff;
	_ =	sdelay $0x5  }
0x193: {  	[tilespmem:s7+$0x19F00] =	vst v0;
	v0 =	vld [tilespmem:s7+$0x18F20]  }
0x194: {  	v1 =	vld.idx.msk [tilespmem:v1+s4+$0x0], $0xffff;
	_ =	sdelay $0x5  }
0x195: {  	[tilespmem:s7+$0x19F10] =	vst v1;
	v1 =	vld [tilespmem:s7+$0x18F30]  }
0x196: {  	v0 =	vld.idx.msk [tilespmem:v0+s4+$0x0], $0xffff;
	_ =	sdelay $0x5  }
0x197: {  	[tilespmem:s7+$0x19F20] =	vst v0;
	v0 =	vld [tilespmem:s7+$0x18F40]  }
0x198: {  	v1 =	vld.idx.msk [tilespmem:v1+s4+$0x0], $0xffff;
	_ =	sdelay $0x5  }
0x199: {  	[tilespmem:s7+$0x19F30] =	vst v1;
	v1 =	vld [tilespmem:s7+$0x18F50]  }
0x19a: {  	v0 =	vld.idx.msk [tilespmem:v0+s4+$0x0], $0xffff;
	_ =	sdelay $0x5  }
0x19b: {  	[tilespmem:s7+$0x19F40] =	vst v0;
	v2 =	vld [tilespmem:s7+$0x18F60]  }
0x19c: {  	v0 =	vld.idx.msk [tilespmem:v1+s4+$0x0], $0xffff;
	_ =	sdelay $0x5  }
0x19d: {  	[tilespmem:s7+$0x19F50] =	vst v0;
	v0 =	vld [tilespmem:s7+$0x18F70]  }
0x19e: {  	v1 =	vld.idx.msk [tilespmem:v2+s4+$0x0], $0xffff  }
.Ltmp5:
0x19f: {  	(pc) =	sbr.rel @p0 .LBB2_13-.Ltmp5, $2  }
0x1a0: {  	_ =	sdelay $0x2  }
0x1a1: {  	s9 =	sshra.s32 s8, $0x2;
	s8 =	sadd.s32 $0x200, s8  }
0x1a2: {  	_ =	sdelay $0x1  }
0x1a3: {  	v2 =	vld [tilespmem:s9+$0x18F00]  }
0x1a4: {  	[tilespmem:s7+$0x19F60] =	vst v1  }
0x1a5: {  	v0 =	vld.idx.msk [tilespmem:v0+s4+$0x0], $0xffff;
	_ =	sdelay $0x3  }
0x1a6: {  	v1 =	vld [tilespmem:s9+$0x18F10]  }
0x1a7: {  	[tilespmem:s7+$0x19F70] =	vst v0  }
0x1a8: {  	v0 =	vld.idx.msk [tilespmem:v2+s4+$0x0], $0xffff;
	_ =	sdelay $0x4  }
0x1a9: {  	[tilespmem:s9+$0x19F00] =	vst v0;
	v0 =	vld [tilespmem:s9+$0x18F20]  }
0x1aa: {  	v1 =	vld.idx.msk [tilespmem:v1+s4+$0x0], $0xffff;
	_ =	sdelay $0x4  }
0x1ab: {  	[tilespmem:s9+$0x19F10] =	vst v1;
	v1 =	vld [tilespmem:s9+$0x18F30];
	_ =	sdelay $0x1  }
0x1ac: {  	v0 =	vld.idx.msk [tilespmem:v0+s4+$0x0], $0xffff;
	_ =	sdelay $0x4  }
0x1ad: {  	[tilespmem:s9+$0x19F20] =	vst v0;
	v0 =	vld [tilespmem:s9+$0x18F40]  }
0x1ae: {  	v1 =	vld.idx.msk [tilespmem:v1+s4+$0x0], $0xffff;
	_ =	sdelay $0x4  }
0x1af: {  	[tilespmem:s9+$0x19F30] =	vst v1;
	v1 =	vld [tilespmem:s9+$0x18F50];
	_ =	sdelay $0x1  }
0x1b0: {  	v0 =	vld.idx.msk [tilespmem:v0+s4+$0x0], $0xffff;
	_ =	sdelay $0x4  }
0x1b1: {  	[tilespmem:s9+$0x19F40] =	vst v0;
	v0 =	vld [tilespmem:s9+$0x18F60]  }
0x1b2: {  	v1 =	vld.idx.msk [tilespmem:v1+s4+$0x0], $0xffff;
	_ =	sdelay $0x4  }
0x1b3: {  	[tilespmem:s9+$0x19F50] =	vst v1;
	v1 =	vld [tilespmem:s9+$0x18F70];
	_ =	sdelay $0x1  }
0x1b4: {  	v0 =	vld.idx.msk [tilespmem:v0+s4+$0x0], $0xffff;
	_ =	sdelay $0x4  }
0x1b5: {  	[tilespmem:s9+$0x19F60] =	vst v0  }
0x1b6: {  	v0 =	vld.idx.msk [tilespmem:v1+s4+$0x0], $0xffff;
	_ =	sdelay $0x4  }
0x1b7: {  	s10 =	sadd.s32 s5, s18;
	[tilespmem:s9+$0x19F70] =	vst v0  }
0x1b8: {  	[hbm4b:s10+s25] =	stream.strided.scatter [tilespmem:s1], [sflag:$0x4], $0x800, s26, s25, $0x38;
	[tilespmem:$0x1A700] =	vst v63  }
0x1b9: {  	s6 =	sadd.s32 s6, s19;
	s11 =	simm.s32 $0x0  }
0x1ba: {  	[tilespmem:s24], [sflag:$0x2] =	stream.linear.gather [hbm4b:s6+s11], $0x800, $0x38;
	[tilespmem:$0x1A700] =	vst v63  }
0x1bb: {  	_ =	swait.ge [sflag:s2], $0x800  }
0x1bc: {  	[sflag:s2] =	ssyncset.done $0x0  }
0x1bd: {  	[sflag:s2] =	ssyncadd.s32 $0xFFFFF800  }
0x1be: {  	_ =	swait.ge [sflag:s0], $0x800  }
0x1bf: {  	[sflag:s0] =	ssyncset.done $0x0  }
0x1c0: {  	s6 =	simm.s32 $0x0;
	[sflag:s0] =	ssyncadd.s32 $0xFFFFF800  }
0x1c1: {  	v0 =	vld [tilespmem:s6+$0x18700];
	_ =	sdelay $0x5  }
0x1c2: {  	v1 =	vld [tilespmem:s6+$0x18710];
	_ =	sdelay $0x1  }
0x1c3: {  	v0 =	vld.idx.msk [tilespmem:v0+s4+$0x0], $0xffff;
	_ =	sdelay $0x4  }
0x1c4: {  	[tilespmem:s6+$0x19700] =	vst v0;
	v0 =	vld [tilespmem:s6+$0x18720]  }
0x1c5: {  	v1 =	vld.idx.msk [tilespmem:v1+s4+$0x0], $0xffff;
	_ =	sdelay $0x4  }
0x1c6: {  	[tilespmem:s6+$0x19710] =	vst v1;
	v1 =	vld [tilespmem:s6+$0x18730];
	_ =	sdelay $0x1  }
0x1c7: {  	v0 =	vld.idx.msk [tilespmem:v0+s4+$0x0], $0xffff;
	_ =	sdelay $0x4  }
0x1c8: {  	[tilespmem:s6+$0x19720] =	vst v0;
	v0 =	vld [tilespmem:s6+$0x18740]  }
0x1c9: {  	v1 =	vld.idx.msk [tilespmem:v1+s4+$0x0], $0xffff;
	_ =	sdelay $0x4  }
0x1ca: {  	[tilespmem:s6+$0x19730] =	vst v1;
	v1 =	vld [tilespmem:s6+$0x18750];
	_ =	sdelay $0x1  }
0x1cb: {  	v0 =	vld.idx.msk [tilespmem:v0+s4+$0x0], $0xffff;
	_ =	sdelay $0x4  }
0x1cc: {  	v2 =	vld [tilespmem:s6+$0x18760];
	[tilespmem:s6+$0x19740] =	vst v0  }
0x1cd: {  	v0 =	vld.idx.msk [tilespmem:v1+s4+$0x0], $0xffff;
	_ =	sdelay $0x4  }
0x1ce: {  	[tilespmem:s6+$0x19750] =	vst v0;
	v0 =	vld [tilespmem:s6+$0x18770];
	_ =	sdelay $0x1  }
0x1cf: {  	v1 =	vld.idx.msk [tilespmem:v2+s4+$0x0], $0xffff;
	_ =	sdelay $0x3  }
0x1d0: {  	s8 =	simm.s32 $0x80;
	s7 =	simm.s32 $0x400  }
.LBB2_15:
0x1d1: {  	p0 =	sne.s32 s7, $0x1E00;
	v2 =	vld [tilespmem:s8+$0x18700];
	[tilespmem:s6+$0x19760] =	vst v1  }
0x1d2: {  	v0 =	vld.idx.msk [tilespmem:v0+s4+$0x0], $0xffff;
	_ =	sdelay $0x5  }
0x1d3: {  	v1 =	vld [tilespmem:s8+$0x18710];
	[tilespmem:s6+$0x19770] =	vst v0;
	s6 =	smov.u32 s8  }
0x1d4: {  	v0 =	vld.idx.msk [tilespmem:v2+s4+$0x0], $0xffff;
	_ =	sdelay $0x5  }
0x1d5: {  	[tilespmem:s6+$0x19700] =	vst v0;
	v0 =	vld [tilespmem:s6+$0x18720]  }
0x1d6: {  	v1 =	vld.idx.msk [tilespmem:v1+s4+$0x0], $0xffff;
	_ =	sdelay $0x5  }
0x1d7: {  	[tilespmem:s6+$0x19710] =	vst v1;
	v1 =	vld [tilespmem:s6+$0x18730]  }
0x1d8: {  	v0 =	vld.idx.msk [tilespmem:v0+s4+$0x0], $0xffff;
	_ =	sdelay $0x5  }
0x1d9: {  	[tilespmem:s6+$0x19720] =	vst v0;
	v0 =	vld [tilespmem:s6+$0x18740]  }
0x1da: {  	v1 =	vld.idx.msk [tilespmem:v1+s4+$0x0], $0xffff;
	_ =	sdelay $0x5  }
0x1db: {  	[tilespmem:s6+$0x19730] =	vst v1;
	v1 =	vld [tilespmem:s6+$0x18750]  }
0x1dc: {  	v0 =	vld.idx.msk [tilespmem:v0+s4+$0x0], $0xffff;
	_ =	sdelay $0x5  }
0x1dd: {  	[tilespmem:s6+$0x19740] =	vst v0;
	v2 =	vld [tilespmem:s6+$0x18760]  }
0x1de: {  	v0 =	vld.idx.msk [tilespmem:v1+s4+$0x0], $0xffff;
	_ =	sdelay $0x5  }
0x1df: {  	[tilespmem:s6+$0x19750] =	vst v0;
	v0 =	vld [tilespmem:s6+$0x18770]  }
0x1e0: {  	v1 =	vld.idx.msk [tilespmem:v2+s4+$0x0], $0xffff  }
.Ltmp6:
0x1e1: {  	(pc) =	sbr.rel @p0 .LBB2_15-.Ltmp6, $2  }
0x1e2: {  	_ =	sdelay $0x2  }
0x1e3: {  	s8 =	sshra.s32 s7, $0x2;
	s7 =	sadd.s32 $0x200, s7  }
0x1e4: {  	_ =	sdelay $0x1  }
0x1e5: {  	v2 =	vld [tilespmem:s8+$0x18700]  }
0x1e6: {  	[tilespmem:s6+$0x19760] =	vst v1  }
0x1e7: {  	v0 =	vld.idx.msk [tilespmem:v0+s4+$0x0], $0xffff;
	_ =	sdelay $0x3  }
0x1e8: {  	v1 =	vld [tilespmem:s8+$0x18710]  }
0x1e9: {  	[tilespmem:s6+$0x19770] =	vst v0  }
0x1ea: {  	v0 =	vld.idx.msk [tilespmem:v2+s4+$0x0], $0xffff;
	_ =	sdelay $0x4  }
0x1eb: {  	[tilespmem:s8+$0x19700] =	vst v0;
	v0 =	vld [tilespmem:s8+$0x18720]  }
0x1ec: {  	v1 =	vld.idx.msk [tilespmem:v1+s4+$0x0], $0xffff;
	_ =	sdelay $0x4  }
0x1ed: {  	[tilespmem:s8+$0x19710] =	vst v1;
	v1 =	vld [tilespmem:s8+$0x18730];
	_ =	sdelay $0x1  }
0x1ee: {  	v0 =	vld.idx.msk [tilespmem:v0+s4+$0x0], $0xffff;
	_ =	sdelay $0x4  }
0x1ef: {  	[tilespmem:s8+$0x19720] =	vst v0;
	v0 =	vld [tilespmem:s8+$0x18740]  }
0x1f0: {  	v1 =	vld.idx.msk [tilespmem:v1+s4+$0x0], $0xffff;
	_ =	sdelay $0x4  }
0x1f1: {  	[tilespmem:s8+$0x19730] =	vst v1;
	v1 =	vld [tilespmem:s8+$0x18750];
	_ =	sdelay $0x1  }
0x1f2: {  	v0 =	vld.idx.msk [tilespmem:v0+s4+$0x0], $0xffff;
	_ =	sdelay $0x4  }
0x1f3: {  	[tilespmem:s8+$0x19740] =	vst v0;
	v0 =	vld [tilespmem:s8+$0x18760]  }
0x1f4: {  	v1 =	vld.idx.msk [tilespmem:v1+s4+$0x0], $0xffff;
	_ =	sdelay $0x4  }
0x1f5: {  	[tilespmem:s8+$0x19750] =	vst v1;
	v1 =	vld [tilespmem:s8+$0x18770];
	_ =	sdelay $0x1  }
0x1f6: {  	v0 =	vld.idx.msk [tilespmem:v0+s4+$0x0], $0xffff;
	_ =	sdelay $0x4  }
0x1f7: {  	[tilespmem:s8+$0x19760] =	vst v0  }
0x1f8: {  	v0 =	vld.idx.msk [tilespmem:v1+s4+$0x0], $0xffff;
	_ =	sdelay $0x4  }
0x1f9: {  	s11 =	sadd.s32 s5, s20;
	[tilespmem:s8+$0x19770] =	vst v0  }
0x1fa: {  	[hbm4b:s11+s25] =	stream.strided.scatter [tilespmem:s3], [sflag:$0x3], $0x800, s26, s25, $0x38;
	[tilespmem:$0x1A700] =	vst v63  }
0x1fb: {  	_ =	swait.ge [sflag:s28], $0x800  }
0x1fc: {  	[sflag:s28] =	ssyncset.done $0x0  }
0x1fd: {  	[sflag:s28] =	ssyncadd.s32 $0xFFFFF800  }
0x1fe: {  	_ =	swait.ge [sflag:s22], $0x800  }
0x1ff: {  	[sflag:s22] =	ssyncset.done $0x0  }
0x200: {  	s6 =	simm.s32 $0x0;
	[sflag:s22] =	ssyncadd.s32 $0xFFFFF800  }
0x201: {  	v0 =	vld [tilespmem:s6+$0x18F00];
	_ =	sdelay $0x5  }
0x202: {  	v1 =	vld [tilespmem:s6+$0x18F10];
	_ =	sdelay $0x1  }
0x203: {  	v0 =	vld.idx.msk [tilespmem:v0+s4+$0x0], $0xffff;
	_ =	sdelay $0x4  }
0x204: {  	[tilespmem:s6+$0x19F00] =	vst v0;
	v0 =	vld [tilespmem:s6+$0x18F20]  }
0x205: {  	v1 =	vld.idx.msk [tilespmem:v1+s4+$0x0], $0xffff;
	_ =	sdelay $0x4  }
0x206: {  	[tilespmem:s6+$0x19F10] =	vst v1;
	v1 =	vld [tilespmem:s6+$0x18F30];
	_ =	sdelay $0x1  }
0x207: {  	v0 =	vld.idx.msk [tilespmem:v0+s4+$0x0], $0xffff;
	_ =	sdelay $0x4  }
0x208: {  	[tilespmem:s6+$0x19F20] =	vst v0;
	v0 =	vld [tilespmem:s6+$0x18F40]  }
0x209: {  	v1 =	vld.idx.msk [tilespmem:v1+s4+$0x0], $0xffff;
	_ =	sdelay $0x4  }
0x20a: {  	[tilespmem:s6+$0x19F30] =	vst v1;
	v1 =	vld [tilespmem:s6+$0x18F50];
	_ =	sdelay $0x1  }
0x20b: {  	v0 =	vld.idx.msk [tilespmem:v0+s4+$0x0], $0xffff;
	_ =	sdelay $0x4  }
0x20c: {  	v2 =	vld [tilespmem:s6+$0x18F60];
	[tilespmem:s6+$0x19F40] =	vst v0  }
0x20d: {  	v0 =	vld.idx.msk [tilespmem:v1+s4+$0x0], $0xffff;
	_ =	sdelay $0x4  }
0x20e: {  	[tilespmem:s6+$0x19F50] =	vst v0;
	v0 =	vld [tilespmem:s6+$0x18F70];
	_ =	sdelay $0x1  }
0x20f: {  	v1 =	vld.idx.msk [tilespmem:v2+s4+$0x0], $0xffff;
	_ =	sdelay $0x3  }
0x210: {  	s7 =	simm.s32 $0x400;
	s8 =	simm.s32 $0x80  }
.LBB2_17:
0x211: {  	p0 =	sne.s32 s7, $0x1E00;
	v2 =	vld [tilespmem:s8+$0x18F00];
	[tilespmem:s6+$0x19F60] =	vst v1  }
0x212: {  	v0 =	vld.idx.msk [tilespmem:v0+s4+$0x0], $0xffff;
	_ =	sdelay $0x5  }
0x213: {  	v1 =	vld [tilespmem:s8+$0x18F10];
	[tilespmem:s6+$0x19F70] =	vst v0;
	s6 =	smov.u32 s8  }
0x214: {  	v0 =	vld.idx.msk [tilespmem:v2+s4+$0x0], $0xffff;
	_ =	sdelay $0x5  }
0x215: {  	[tilespmem:s6+$0x19F00] =	vst v0;
	v0 =	vld [tilespmem:s6+$0x18F20]  }
0x216: {  	v1 =	vld.idx.msk [tilespmem:v1+s4+$0x0], $0xffff;
	_ =	sdelay $0x5  }
0x217: {  	[tilespmem:s6+$0x19F10] =	vst v1;
	v1 =	vld [tilespmem:s6+$0x18F30]  }
0x218: {  	v0 =	vld.idx.msk [tilespmem:v0+s4+$0x0], $0xffff;
	_ =	sdelay $0x5  }
0x219: {  	[tilespmem:s6+$0x19F20] =	vst v0;
	v0 =	vld [tilespmem:s6+$0x18F40]  }
0x21a: {  	v1 =	vld.idx.msk [tilespmem:v1+s4+$0x0], $0xffff;
	_ =	sdelay $0x5  }
0x21b: {  	[tilespmem:s6+$0x19F30] =	vst v1;
	v1 =	vld [tilespmem:s6+$0x18F50]  }
0x21c: {  	v0 =	vld.idx.msk [tilespmem:v0+s4+$0x0], $0xffff;
	_ =	sdelay $0x5  }
0x21d: {  	[tilespmem:s6+$0x19F40] =	vst v0;
	v2 =	vld [tilespmem:s6+$0x18F60]  }
0x21e: {  	v0 =	vld.idx.msk [tilespmem:v1+s4+$0x0], $0xffff;
	_ =	sdelay $0x5  }
0x21f: {  	[tilespmem:s6+$0x19F50] =	vst v0;
	v0 =	vld [tilespmem:s6+$0x18F70]  }
0x220: {  	v1 =	vld.idx.msk [tilespmem:v2+s4+$0x0], $0xffff  }
.Ltmp7:
0x221: {  	(pc) =	sbr.rel @p0 .LBB2_17-.Ltmp7, $2  }
0x222: {  	_ =	sdelay $0x2  }
0x223: {  	s8 =	sshra.s32 s7, $0x2;
	s7 =	sadd.s32 $0x200, s7  }
0x224: {  	_ =	sdelay $0x1  }
0x225: {  	v2 =	vld [tilespmem:s8+$0x18F00]  }
0x226: {  	[tilespmem:s6+$0x19F60] =	vst v1  }
0x227: {  	v0 =	vld.idx.msk [tilespmem:v0+s4+$0x0], $0xffff;
	_ =	sdelay $0x3  }
0x228: {  	v1 =	vld [tilespmem:s8+$0x18F10]  }
0x229: {  	[tilespmem:s6+$0x19F70] =	vst v0  }
0x22a: {  	v0 =	vld.idx.msk [tilespmem:v2+s4+$0x0], $0xffff;
	_ =	sdelay $0x3  }
0x22b: {  	v58 =	vld [tilespmem:s8+$0x18F20]  }
0x22c: {  	[tilespmem:s8+$0x19F00] =	vst v0  }
0x22d: {  	v1 =	vld.idx.msk [tilespmem:v1+s4+$0x0], $0xffff;
	_ =	sdelay $0x3  }
0x22e: {  	v59 =	vld [tilespmem:s8+$0x18F30]  }
0x22f: {  	[tilespmem:s8+$0x19F10] =	vst v1  }
0x230: {  	v0 =	vld.idx.msk [tilespmem:v58+s4+$0x0], $0xffff;
	_ =	sdelay $0x3  }
0x231: {  	v60 =	vld [tilespmem:s8+$0x18F40]  }
0x232: {  	[tilespmem:s8+$0x19F20] =	vst v0  }
0x233: {  	v1 =	vld.idx.msk [tilespmem:v59+s4+$0x0], $0xffff;
	_ =	sdelay $0x3  }
0x234: {  	v61 =	vld [tilespmem:s8+$0x18F50]  }
0x235: {  	[tilespmem:s8+$0x19F30] =	vst v1  }
0x236: {  	v0 =	vld.idx.msk [tilespmem:v60+s4+$0x0], $0xffff;
	_ =	sdelay $0x3  }
0x237: {  	v62 =	vld [tilespmem:s8+$0x18F60]  }
0x238: {  	[tilespmem:s8+$0x19F40] =	vst v0  }
0x239: {  	v1 =	vld.idx.msk [tilespmem:v61+s4+$0x0], $0xffff;
	_ =	sdelay $0x3  }
0x23a: {  	v63 =	vld [tilespmem:s8+$0x18F70]  }
0x23b: {  	[tilespmem:s8+$0x19F50] =	vst v1  }
0x23c: {  	v0 =	vld.idx.msk [tilespmem:v62+s4+$0x0], $0xffff;
	_ =	sdelay $0x4  }
0x23d: {  	[tilespmem:s8+$0x19F60] =	vst v0  }
0x23e: {  	v0 =	vld.idx.msk [tilespmem:v63+s4+$0x0], $0xffff;
	_ =	sdelay $0x4  }
0x23f: {  	s5 =	sadd.s32 s5, s21;
	s29 =	sadd.s32 $0x1, s29;
	[tilespmem:s8+$0x19F70] =	vst v0  }
0x240: {  	[hbm4b:s5+s25] =	stream.strided.scatter [tilespmem:s1], [sflag:$0x4], $0x800, s26, s25, $0x38;
	[tilespmem:$0x1A700] =	vst v63  }
0x241: {  	p0 =	sne.s32 s29, $0xD;
	_ =	swait.ge [sflag:s2], $0x800  }
.Ltmp8:
0x242: {  	[sflag:s2] =	ssyncset.done $0x0;
	(pc) =	sbr.rel @p0 .LBB2_2-.Ltmp8, $4  }
0x243: {  	[sflag:s2] =	ssyncadd.s32 $0xFFFFF800  }
0x244: {  	_ =	swait.ge [sflag:s28], $0x800  }
0x245: {  	[sflag:s28] =	ssyncset.done $0x0  }
0x246: {  	[sflag:s28] =	ssyncadd.s32 $0xFFFFF800  }
0x247: {  	s6 =	rddreg [dreg:$0xc]  }
0x248: {  	s5 =	rddreg [dreg:$0xb];
	s6 =	sadd.s32 $0x1, s6  }
0x249: {  	p0 =	sne.s32 s6, s5  }
.Ltmp9:
0x24a: {  	_ = 	snop;
	(pc) =	sbr.rel @p0 .LBB2_1-.Ltmp9, $1  }
0x24b: {  	_ =	sdelay $0x3  }
0x24c: {  	_ =	sfence.sel $0x180000  }
0x24d: {  	[bflag:$0x0] =	sbarrier.arrive $0xFFFF  }
0x24e: {  	_ =	strace $0x90000047  }
0x24f: {  	s0 =	stileid.u32;
	[bflag:$0x2] =	sbarrier.arrive $0xFFFF  }
0x250: {  	p0 =	sne.s32 s0, $0x0;
	s0 =	rddreg [dreg:$0x3]  }
0x251: {  	s0 =	sadd.s32 @!p0 $0x100000, s0  }
0x252: {  	[sflag:s0] =	ssyncadd.tile.s32 @!p0 $0x1;
	_ =	shalt  }
.Lfunc_end2:
_tile_overlayer_lowered:
.L_overlay_start_2:
0x253: {  	(tag) =	ssettag $0x2  }
0x254: {  	s0 =	rddreg [dreg:$0x0];
	s2 =	stileid.u32  }
0x255: {  	s1 =	rddreg [dreg:$0x1];
	p0 =	sne.s32 s2, $0x0  }
0x256: {  	s3 =	rddreg [dreg:$0x2];
	[bflag:$0x3] =	sbarrier.arrive $0xFFFF;
	s2 =	simm.s32 @!p0 $0x1C07  }
0x257: {  	[timem:s3], [sflag:s2] =	dma.local @!p0 [hbm:s0], s1  }
0x258: {  	s0 =	simm.s32 @!p0 $0x7  }
0x259: {  	_ =	swait.ge @!p0 [sflag:s0], s1  }
0x25a: {  	s1 =	ssub.s32 @!p0 $0x0, s1;
	[sflag:s0] =	ssyncset.done @!p0 $0x0  }
0x25b: {  	[sflag:s0] =	ssyncadd.s32 @!p0 s1  }
0x25c: {  	[bflag:$0x3] =	sbarrier.arrive $0xFFFF  }
0x25d: {  	_ =	shalt  }

</sc_bundles>
